<compile_context>
chip_gen: v7x
topology: tpu7x:2x2x1
jax: 0.10.2.dev20260603
libtpu: 0.0.44.dev20260713+nightly
codegen_flags: <defaults>
</compile_context>

<pallas_src>
import functools

import jax
import jax.numpy as jnp
from jax import lax
from jax.experimental import pallas as pl
from jax.experimental.pallas import tpu as pltpu
from jax.experimental.pallas import tpu_sc as plsc

B, T, D, H, K = 32, 8192, 128, 32, 32


BB = 4


def _mlp_body(x_ref, w1_ref, b1_ref, w2_ref, y_ref):
    x = x_ref[...].reshape(BB * T, D)
    xb = x.astype(jnp.bfloat16)
    w1b = w1_ref[...].astype(jnp.bfloat16)
    h = jnp.dot(xb, w1b, preferred_element_type=jnp.float32)
    h = jnp.maximum(h + b1_ref[...], 0.0)
    hb = h.astype(jnp.bfloat16)
    w2b = w2_ref[...].astype(jnp.bfloat16)
    y = lax.dot_general(
        w2b, hb, (((1,), (1,)), ((), ())),
        preferred_element_type=jnp.float32)
    y_ref[...] = y.reshape(BB, 1, T)


def _mlp_logits(x, W1, b1r, w2r):
    return pl.pallas_call(
        _mlp_body,
        grid=(B // BB,),
        in_specs=[
            pl.BlockSpec((BB, T, D), lambda i: (i, 0, 0)),
            pl.BlockSpec((D, H), lambda i: (0, 0)),
            pl.BlockSpec((1, H), lambda i: (0, 0)),
            pl.BlockSpec((1, H), lambda i: (0, 0)),
        ],
        out_specs=pl.BlockSpec((BB, 1, T), lambda i: (i, 0, 0)),
        out_shape=jax.ShapeDtypeStruct((B, 1, T), jnp.float32),
    )(x, W1, b1r, w2r)


def _topk_body(y_ref, noise_ref, idx_ref):
    y = y_ref[...] + noise_ref[...]
    iota_t = lax.broadcasted_iota(jnp.int32, (B, T), 1)
    neg = jnp.float32(-jnp.inf)
    cols = []
    for _ in range(K):
        m = jnp.max(y, axis=1, keepdims=True)
        cand = jnp.where(y == m, iota_t, jnp.int32(T))
        idx = jnp.min(cand, axis=1, keepdims=True)
        cols.append(idx)
        y = jnp.where(iota_t == idx, neg, y)
    idx_mat = jnp.concatenate(cols, axis=1)
    row_off = lax.broadcasted_iota(jnp.int32, (B, K), 0) * jnp.int32(T)
    idx_ref[...] = idx_mat + row_off


def _topk_flat_idx(y, noise):
    return pl.pallas_call(
        _topk_body,
        in_specs=[
            pl.BlockSpec((B, T), lambda: (0, 0)),
            pl.BlockSpec((B, T), lambda: (0, 0)),
        ],
        out_specs=pl.BlockSpec((B, K), lambda: (0, 0)),
        out_shape=jax.ShapeDtypeStruct((B, K), jnp.int32),
    )(y, noise)


_BK = B * K


@functools.cache
def _make_sc_gather():
    info = plsc.get_sparse_core_info()
    nc, ns = info.num_cores, info.num_subcores
    nw = nc * ns
    rpw = _BK // nw
    mesh = plsc.VectorSubcoreMesh(core_axis_name="c", subcore_axis_name="s")

    @functools.partial(
        pl.kernel,
        mesh=mesh,
        out_type=jax.ShapeDtypeStruct((_BK, D), jnp.float32),
        scratch_types=[
            pltpu.VMEM((rpw,), jnp.int32),
            pltpu.VMEM((rpw, D), jnp.float32),
            pltpu.SemaphoreType.DMA,
        ],
    )
    def _sc_gather(x_hbm, idx_hbm, out_hbm, idx_v, rows_v, sem):
        wid = lax.axis_index("s") * nc + lax.axis_index("c")
        base = wid * rpw
        pltpu.sync_copy(idx_hbm.at[pl.ds(base, rpw)], idx_v)
        pltpu.async_copy(x_hbm.at[idx_v], rows_v, sem).wait()
        pltpu.sync_copy(rows_v, out_hbm.at[pl.ds(base, rpw)])

    return _sc_gather


def kernel(x, W1, b1, W2, b2):
    x_flat = x.reshape(B * T, D)
    noise = jax.random.gumbel(jax.random.key(42), (B, T), jnp.float32) + b2[0]
    y = _mlp_logits(x, W1, b1.reshape(1, H), W2.reshape(1, H))
    kidx = _topk_flat_idx(y.reshape(B, T), noise)
    sel = _make_sc_gather()(x_flat, kidx.reshape(_BK))
    return sel.reshape(B, K, D)

# --- scband reference (transcript-rebuilt; emitter-appended) ---
"""Pipeline reference for scband-gumbel-selector-69621419868368 (READ-ONLY COPY).

The authoritative reference and input builder live on the scoring server;
editing this copy changes nothing except your own understanding.
"""

import jax, jax.numpy as jnp
import numpy as np

B, T, D, H, K = 32, 8192, 128, 32, 32

def setup_inputs(seed: int = 0) -> dict:
    key = jax.random.key(seed)
    k1, k2, k3 = jax.random.split(key, 3)
    x = jax.random.normal(k1, (B, T, D), dtype=jnp.float32)
    W1 = jax.random.normal(k2, (D, H), dtype=jnp.float32) * (1.0 / np.sqrt(D))
    b1 = jnp.zeros((H,), dtype=jnp.float32)
    W2 = jax.random.normal(k3, (H, 1), dtype=jnp.float32) * (1.0 / np.sqrt(H))
    b2 = jnp.zeros((1,), dtype=jnp.float32)
    return {"x": x, "W1": W1, "b1": b1, "W2": W2, "b2": b2}

def reference(x, W1, b1, W2, b2):
    # selector_net: Linear -> ReLU -> Linear -> squeeze(-1)
    h = jax.nn.relu(jnp.einsum('btd,dh->bth', x, W1) + b1)
    logits = (jnp.einsum('bth,ho->bto', h, W2) + b2)[..., 0]  # [B, T]
    # gumbel noise: -log(Exponential(1)) == standard Gumbel; fixed key for determinism
    gumbel_noise = jax.random.gumbel(jax.random.key(42), logits.shape, dtype=logits.dtype)
    y = logits + gumbel_noise
    _, topk_idx = jax.lax.top_k(y, K)  # [B, K]
    # torch.gather(x, 1, topk.unsqueeze(-1).expand(-1, -1, D))
    selected = jnp.take_along_axis(x, topk_idx[:, :, None], axis=1)  # [B, K, D]
    return selected

if __name__ == "__main__":
    import jax
    _d = setup_inputs()
    print(jax.jit(kernel)(*tuple(_d.values())))

</pallas_src>

<mosaic_0001>
#map = affine_map<(d0, d1) -> (0, 0)>
#map1 = affine_map<(d0, d1) -> (0)>
module attributes {stable_mosaic.version = 14 : i64} {
  func.func @_sc_gather(%arg0: i32, %arg1: i32, %arg2: memref<262144x128xf32, #tpu.memory_space<hbm>>, %arg3: memref<1024xi32, #tpu.memory_space<hbm>>, %arg4: memref<1024x128xf32, #tpu.memory_space<hbm>>, %arg5: memref<32xi32, #tpu.memory_space<vmem>>, %arg6: memref<32x128xf32, #tpu.memory_space<vmem>>, %arg7: memref<!tpu.dma_semaphore, #tpu.memory_space<semaphore_mem>>) attributes {dimension_semantics = [#tpu.dimension_semantics<core_parallel>, #tpu.dimension_semantics<subcore_parallel>], iteration_bounds = array<i64: 2, 16>, scalar_prefetch = 0 : i64, scratch_operands = 3 : i64, tpu.core_type = #tpu.core_type<sc_vector_subcore>, window_params = [{transform_indices = #map}, {transform_indices = #map1}, {transform_indices = #map}]} {
    %mul3A = arith.constant 2 : i32
    %mul3A_0 = arith.muli %arg1, %mul3A : i32
    %add3A = arith.addi %mul3A_0, %arg0 : i32
    %mul3A_1 = arith.constant 32 : i32
    %mul3A_2 = arith.muli %add3A, %mul3A_1 : i32
    "tpu.region"() ({
      %run_scoped3A = tpu.sem_alloc : memref<!tpu.dma_semaphore, #tpu.memory_space<semaphore_mem>>
      %dma_start3A_7 = tpu.memref_slice %arg3[%mul3A_2] : memref<1024xi32, #tpu.memory_space<hbm>> -> memref<32xi32, #tpu.memory_space<hbm>>
      %dma_start3A_8 = tpu.memref_slice %arg3[%mul3A_2] : memref<1024xi32, #tpu.memory_space<hbm>> -> memref<32xi32, #tpu.memory_space<hbm>>
      tpu.enqueue_dma source(%dma_start3A_8 : memref<32xi32, #tpu.memory_space<hbm>>) target(%arg5 : memref<32xi32, #tpu.memory_space<vmem>>) target_semaphore(%run_scoped3A : memref<!tpu.dma_semaphore, #tpu.memory_space<semaphore_mem>>)
      %dma_wait3A_9 = tpu.memref_slice %arg3[%mul3A_2] : memref<1024xi32, #tpu.memory_space<hbm>> -> memref<32xi32, #tpu.memory_space<hbm>>
      %dma_wait3A_10 = tpu.memref_slice %arg3[%mul3A_2] : memref<1024xi32, #tpu.memory_space<hbm>> -> memref<32xi32, #tpu.memory_space<hbm>>
      tpu.wait_dma2 semaphore(%run_scoped3A : memref<!tpu.dma_semaphore, #tpu.memory_space<semaphore_mem>>) src(%dma_wait3A_10 : memref<32xi32, #tpu.memory_space<hbm>>) dst(%arg5 : memref<32xi32, #tpu.memory_space<vmem>>)
      tpu.yield
    }) : () -> ()
    %dma_start3A = arith.constant 0 : i32
    %dma_start3A_3 = arith.constant 0 : i32
    %dma_start3A_4 = tpu.memref_slice %arg2[%dma_start3A, %dma_start3A_3] : memref<262144x128xf32, #tpu.memory_space<hbm>> -> memref<262144x128xf32, #tpu.memory_space<hbm>>
    tpu.enqueue_indirect_dma source(%dma_start3A_4 : memref<262144x128xf32, #tpu.memory_space<hbm>>) target(%arg6 : memref<32x128xf32, #tpu.memory_space<vmem>>) offsets(%arg5 : memref<32xi32, #tpu.memory_space<vmem>>) semaphore(%arg7 : memref<!tpu.dma_semaphore, #tpu.memory_space<semaphore_mem>>)
    %dma_wait3A = arith.constant 0 : i32
    %dma_wait3A_5 = arith.constant 0 : i32
    %dma_wait3A_6 = tpu.memref_slice %arg2[%dma_wait3A, %dma_wait3A_5] : memref<262144x128xf32, #tpu.memory_space<hbm>> -> memref<262144x128xf32, #tpu.memory_space<hbm>>
    tpu.wait_indirect_dma semaphore(%arg7 : memref<!tpu.dma_semaphore, #tpu.memory_space<semaphore_mem>>) src(%dma_wait3A_6 : memref<262144x128xf32, #tpu.memory_space<hbm>>) dst(%arg6 : memref<32x128xf32, #tpu.memory_space<vmem>>)
    "tpu.region"() ({
      %run_scoped3A = tpu.sem_alloc : memref<!tpu.dma_semaphore, #tpu.memory_space<semaphore_mem>>
      %dma_start3A_7 = arith.constant 0 : i32
      %dma_start3A_8 = tpu.memref_slice %arg4[%mul3A_2, %dma_start3A_7] : memref<1024x128xf32, #tpu.memory_space<hbm>> -> memref<32x128xf32, #tpu.memory_space<hbm>>
      %dma_start3A_9 = arith.constant 0 : i32
      %dma_start3A_10 = tpu.memref_slice %arg4[%mul3A_2, %dma_start3A_9] : memref<1024x128xf32, #tpu.memory_space<hbm>> -> memref<32x128xf32, #tpu.memory_space<hbm>>
      tpu.enqueue_dma source(%arg6 : memref<32x128xf32, #tpu.memory_space<vmem>>) target(%dma_start3A_10 : memref<32x128xf32, #tpu.memory_space<hbm>>) target_semaphore(%run_scoped3A : memref<!tpu.dma_semaphore, #tpu.memory_space<semaphore_mem>>)
      %dma_wait3A_11 = arith.constant 0 : i32
      %dma_wait3A_12 = tpu.memref_slice %arg4[%mul3A_2, %dma_wait3A_11] : memref<1024x128xf32, #tpu.memory_space<hbm>> -> memref<32x128xf32, #tpu.memory_space<hbm>>
      %dma_wait3A_13 = arith.constant 0 : i32
      %dma_wait3A_14 = tpu.memref_slice %arg4[%mul3A_2, %dma_wait3A_13] : memref<1024x128xf32, #tpu.memory_space<hbm>> -> memref<32x128xf32, #tpu.memory_space<hbm>>
      tpu.wait_dma2 semaphore(%run_scoped3A : memref<!tpu.dma_semaphore, #tpu.memory_space<semaphore_mem>>) src(%arg6 : memref<32x128xf32, #tpu.memory_space<vmem>>) dst(%dma_wait3A_14 : memref<32x128xf32, #tpu.memory_space<hbm>>)
      tpu.yield
    }) : () -> ()
    return
  }
}

module attributes {stable_mosaic.version = 14 : i64} {
  func.func @_topk_body(%arg0: memref<32x8192xf32, #tpu.memory_space<vmem>>, %arg1: memref<32x8192xf32, #tpu.memory_space<vmem>>, %arg2: memref<32x32xi32, #tpu.memory_space<vmem>>) attributes {dimension_semantics = [], scalar_prefetch = 0 : i64, scratch_operands = 0 : i64, tpu.core_type = #tpu.core_type<tc>} {
    %get3A = arith.constant 0 : index
    %get3A_0 = arith.constant 0 : index
    %get3A_1 = vector.load %arg0[%get3A, %get3A_0] : memref<32x8192xf32, #tpu.memory_space<vmem>>, vector<32x8192xf32>
    %get3A_2 = arith.constant 0 : index
    %get3A_3 = arith.constant 0 : index
    %get3A_4 = vector.load %arg1[%get3A_2, %get3A_3] : memref<32x8192xf32, #tpu.memory_space<vmem>>, vector<32x8192xf32>
    %add3A = arith.addf %get3A_1, %get3A_4 : vector<32x8192xf32>
    %iota3A = tpu.iota {dimensions = array<i32: 1>} : vector<32x8192xi32>
    %reduce_max3A = arith.constant dense<0xFF800000> : vector<32xf32>
    %reduce_max3A_5 = vector.multi_reduction <maximumf>, %add3A, %reduce_max3A [1] : vector<32x8192xf32> to vector<32xf32>
    %broadcast_in_dim3A = vector.shape_cast %reduce_max3A_5 : vector<32xf32> to vector<32x1xf32>
    %eq3A = vector.broadcast %broadcast_in_dim3A : vector<32x1xf32> to vector<32x8192xf32>
    %eq3A_6 = arith.cmpf oeq, %add3A, %eq3A : vector<32x8192xf32>
    %jit3A = arith.constant 8192 : i32
    %broadcast_in_dim3A_7 = vector.broadcast %jit3A : i32 to vector<32x8192xi32>
    %select_n3A = arith.select %eq3A_6, %iota3A, %broadcast_in_dim3A_7 : vector<32x8192xi1>, vector<32x8192xi32>
    %reduce_min3A = arith.constant dense<2147483647> : vector<32xi32>
    %reduce_min3A_8 = vector.multi_reduction <minsi>, %select_n3A, %reduce_min3A [1] : vector<32x8192xi32> to vector<32xi32>
    %broadcast_in_dim3A_9 = vector.shape_cast %reduce_min3A_8 : vector<32xi32> to vector<32x1xi32>
    %eq3A_10 = vector.broadcast %broadcast_in_dim3A_9 : vector<32x1xi32> to vector<32x8192xi32>
    %eq3A_11 = arith.cmpi eq, %iota3A, %eq3A_10 : vector<32x8192xi32>
    %jit3A_12 = arith.constant 0xFF800000 : f32
    %broadcast_in_dim3A_13 = vector.broadcast %jit3A_12 : f32 to vector<32x8192xf32>
    %select_n3A_14 = arith.select %eq3A_11, %broadcast_in_dim3A_13, %add3A : vector<32x8192xi1>, vector<32x8192xf32>
    %reduce_max3A_15 = arith.constant dense<0xFF800000> : vector<32xf32>
    %reduce_max3A_16 = vector.multi_reduction <maximumf>, %select_n3A_14, %reduce_max3A_15 [1] : vector<32x8192xf32> to vector<32xf32>
    %broadcast_in_dim3A_17 = vector.shape_cast %reduce_max3A_16 : vector<32xf32> to vector<32x1xf32>
    %eq3A_18 = vector.broadcast %broadcast_in_dim3A_17 : vector<32x1xf32> to vector<32x8192xf32>
    %eq3A_19 = arith.cmpf oeq, %select_n3A_14, %eq3A_18 : vector<32x8192xf32>
    %jit3A_20 = arith.constant 8192 : i32
    %broadcast_in_dim3A_21 = vector.broadcast %jit3A_20 : i32 to vector<32x8192xi32>
    %select_n3A_22 = arith.select %eq3A_19, %iota3A, %broadcast_in_dim3A_21 : vector<32x8192xi1>, vector<32x8192xi32>
    %reduce_min3A_23 = arith.constant dense<2147483647> : vector<32xi32>
    %reduce_min3A_24 = vector.multi_reduction <minsi>, %select_n3A_22, %reduce_min3A_23 [1] : vector<32x8192xi32> to vector<32xi32>
    %broadcast_in_dim3A_25 = vector.shape_cast %reduce_min3A_24 : vector<32xi32> to vector<32x1xi32>
    %eq3A_26 = vector.broadcast %broadcast_in_dim3A_25 : vector<32x1xi32> to vector<32x8192xi32>
    %eq3A_27 = arith.cmpi eq, %iota3A, %eq3A_26 : vector<32x8192xi32>
    %jit3A_28 = arith.constant 0xFF800000 : f32
    %broadcast_in_dim3A_29 = vector.broadcast %jit3A_28 : f32 to vector<32x8192xf32>
    %select_n3A_30 = arith.select %eq3A_27, %broadcast_in_dim3A_29, %select_n3A_14 : vector<32x8192xi1>, vector<32x8192xf32>
    %reduce_max3A_31 = arith.constant dense<0xFF800000> : vector<32xf32>
    %reduce_max3A_32 = vector.multi_reduction <maximumf>, %select_n3A_30, %reduce_max3A_31 [1] : vector<32x8192xf32> to vector<32xf32>
    %broadcast_in_dim3A_33 = vector.shape_cast %reduce_max3A_32 : vector<32xf32> to vector<32x1xf32>
    %eq3A_34 = vector.broadcast %broadcast_in_dim3A_33 : vector<32x1xf32> to vector<32x8192xf32>
    %eq3A_35 = arith.cmpf oeq, %select_n3A_30, %eq3A_34 : vector<32x8192xf32>
    %jit3A_36 = arith.constant 8192 : i32
    %broadcast_in_dim3A_37 = vector.broadcast %jit3A_36 : i32 to vector<32x8192xi32>
    %select_n3A_38 = arith.select %eq3A_35, %iota3A, %broadcast_in_dim3A_37 : vector<32x8192xi1>, vector<32x8192xi32>
    %reduce_min3A_39 = arith.constant dense<2147483647> : vector<32xi32>
    %reduce_min3A_40 = vector.multi_reduction <minsi>, %select_n3A_38, %reduce_min3A_39 [1] : vector<32x8192xi32> to vector<32xi32>
    %broadcast_in_dim3A_41 = vector.shape_cast %reduce_min3A_40 : vector<32xi32> to vector<32x1xi32>
    %eq3A_42 = vector.broadcast %broadcast_in_dim3A_41 : vector<32x1xi32> to vector<32x8192xi32>
    %eq3A_43 = arith.cmpi eq, %iota3A, %eq3A_42 : vector<32x8192xi32>
    %jit3A_44 = arith.constant 0xFF800000 : f32
    %broadcast_in_dim3A_45 = vector.broadcast %jit3A_44 : f32 to vector<32x8192xf32>
    %select_n3A_46 = arith.select %eq3A_43, %broadcast_in_dim3A_45, %select_n3A_30 : vector<32x8192xi1>, vector<32x8192xf32>
    %reduce_max3A_47 = arith.constant dense<0xFF800000> : vector<32xf32>
    %reduce_max3A_48 = vector.multi_reduction <maximumf>, %select_n3A_46, %reduce_max3A_47 [1] : vector<32x8192xf32> to vector<32xf32>
    %broadcast_in_dim3A_49 = vector.shape_cast %reduce_max3A_48 : vector<32xf32> to vector<32x1xf32>
    %eq3A_50 = vector.broadcast %broadcast_in_dim3A_49 : vector<32x1xf32> to vector<32x8192xf32>
    %eq3A_51 = arith.cmpf oeq, %select_n3A_46, %eq3A_50 : vector<32x8192xf32>
    %jit3A_52 = arith.constant 8192 : i32
    %broadcast_in_dim3A_53 = vector.broadcast %jit3A_52 : i32 to vector<32x8192xi32>
    %select_n3A_54 = arith.select %eq3A_51, %iota3A, %broadcast_in_dim3A_53 : vector<32x8192xi1>, vector<32x8192xi32>
    %reduce_min3A_55 = arith.constant dense<2147483647> : vector<32xi32>
    %reduce_min3A_56 = vector.multi_reduction <minsi>, %select_n3A_54, %reduce_min3A_55 [1] : vector<32x8192xi32> to vector<32xi32>
    %broadcast_in_dim3A_57 = vector.shape_cast %reduce_min3A_56 : vector<32xi32> to vector<32x1xi32>
    %eq3A_58 = vector.broadcast %broadcast_in_dim3A_57 : vector<32x1xi32> to vector<32x8192xi32>
    %eq3A_59 = arith.cmpi eq, %iota3A, %eq3A_58 : vector<32x8192xi32>
    %jit3A_60 = arith.constant 0xFF800000 : f32
    %broadcast_in_dim3A_61 = vector.broadcast %jit3A_60 : f32 to vector<32x8192xf32>
    %select_n3A_62 = arith.select %eq3A_59, %broadcast_in_dim3A_61, %select_n3A_46 : vector<32x8192xi1>, vector<32x8192xf32>
    %reduce_max3A_63 = arith.constant dense<0xFF800000> : vector<32xf32>
    %reduce_max3A_64 = vector.multi_reduction <maximumf>, %select_n3A_62, %reduce_max3A_63 [1] : vector<32x8192xf32> to vector<32xf32>
    %broadcast_in_dim3A_65 = vector.shape_cast %reduce_max3A_64 : vector<32xf32> to vector<32x1xf32>
    %eq3A_66 = vector.broadcast %broadcast_in_dim3A_65 : vector<32x1xf32> to vector<32x8192xf32>
    %eq3A_67 = arith.cmpf oeq, %select_n3A_62, %eq3A_66 : vector<32x8192xf32>
    %jit3A_68 = arith.constant 8192 : i32
    %broadcast_in_dim3A_69 = vector.broadcast %jit3A_68 : i32 to vector<32x8192xi32>
    %select_n3A_70 = arith.select %eq3A_67, %iota3A, %broadcast_in_dim3A_69 : vector<32x8192xi1>, vector<32x8192xi32>
    %reduce_min3A_71 = arith.constant dense<2147483647> : vector<32xi32>
    %reduce_min3A_72 = vector.multi_reduction <minsi>, %select_n3A_70, %reduce_min3A_71 [1] : vector<32x8192xi32> to vector<32xi32>
    %broadcast_in_dim3A_73 = vector.shape_cast %reduce_min3A_72 : vector<32xi32> to vector<32x1xi32>
    %eq3A_74 = vector.broadcast %broadcast_in_dim3A_73 : vector<32x1xi32> to vector<32x8192xi32>
    %eq3A_75 = arith.cmpi eq, %iota3A, %eq3A_74 : vector<32x8192xi32>
    %jit3A_76 = arith.constant 0xFF800000 : f32
    %broadcast_in_dim3A_77 = vector.broadcast %jit3A_76 : f32 to vector<32x8192xf32>
    %select_n3A_78 = arith.select %eq3A_75, %broadcast_in_dim3A_77, %select_n3A_62 : vector<32x8192xi1>, vector<32x8192xf32>
    %reduce_max3A_79 = arith.constant dense<0xFF800000> : vector<32xf32>
    %reduce_max3A_80 = vector.multi_reduction <maximumf>, %select_n3A_78, %reduce_max3A_79 [1] : vector<32x8192xf32> to vector<32xf32>
    %broadcast_in_dim3A_81 = vector.shape_cast %reduce_max3A_80 : vector<32xf32> to vector<32x1xf32>
    %eq3A_82 = vector.broadcast %broadcast_in_dim3A_81 : vector<32x1xf32> to vector<32x8192xf32>
    %eq3A_83 = arith.cmpf oeq, %select_n3A_78, %eq3A_82 : vector<32x8192xf32>
    %jit3A_84 = arith.constant 8192 : i32
    %broadcast_in_dim3A_85 = vector.broadcast %jit3A_84 : i32 to vector<32x8192xi32>
    %select_n3A_86 = arith.select %eq3A_83, %iota3A, %broadcast_in_dim3A_85 : vector<32x8192xi1>, vector<32x8192xi32>
    %reduce_min3A_87 = arith.constant dense<2147483647> : vector<32xi32>
    %reduce_min3A_88 = vector.multi_reduction <minsi>, %select_n3A_86, %reduce_min3A_87 [1] : vector<32x8192xi32> to vector<32xi32>
    %broadcast_in_dim3A_89 = vector.shape_cast %reduce_min3A_88 : vector<32xi32> to vector<32x1xi32>
    %eq3A_90 = vector.broadcast %broadcast_in_dim3A_89 : vector<32x1xi32> to vector<32x8192xi32>
    %eq3A_91 = arith.cmpi eq, %iota3A, %eq3A_90 : vector<32x8192xi32>
    %jit3A_92 = arith.constant 0xFF800000 : f32
    %broadcast_in_dim3A_93 = vector.broadcast %jit3A_92 : f32 to vector<32x8192xf32>
    %select_n3A_94 = arith.select %eq3A_91, %broadcast_in_dim3A_93, %select_n3A_78 : vector<32x8192xi1>, vector<32x8192xf32>
    %reduce_max3A_95 = arith.constant dense<0xFF800000> : vector<32xf32>
    %reduce_max3A_96 = vector.multi_reduction <maximumf>, %select_n3A_94, %reduce_max3A_95 [1] : vector<32x8192xf32> to vector<32xf32>
    %broadcast_in_dim3A_97 = vector.shape_cast %reduce_max3A_96 : vector<32xf32> to vector<32x1xf32>
    %eq3A_98 = vector.broadcast %broadcast_in_dim3A_97 : vector<32x1xf32> to vector<32x8192xf32>
    %eq3A_99 = arith.cmpf oeq, %select_n3A_94, %eq3A_98 : vector<32x8192xf32>
    %jit3A_100 = arith.constant 8192 : i32
    %broadcast_in_dim3A_101 = vector.broadcast %jit3A_100 : i32 to vector<32x8192xi32>
    %select_n3A_102 = arith.select %eq3A_99, %iota3A, %broadcast_in_dim3A_101 : vector<32x8192xi1>, vector<32x8192xi32>
    %reduce_min3A_103 = arith.constant dense<2147483647> : vector<32xi32>
    %reduce_min3A_104 = vector.multi_reduction <minsi>, %select_n3A_102, %reduce_min3A_103 [1] : vector<32x8192xi32> to vector<32xi32>
    %broadcast_in_dim3A_105 = vector.shape_cast %reduce_min3A_104 : vector<32xi32> to vector<32x1xi32>
    %eq3A_106 = vector.broadcast %broadcast_in_dim3A_105 : vector<32x1xi32> to vector<32x8192xi32>
    %eq3A_107 = arith.cmpi eq, %iota3A, %eq3A_106 : vector<32x8192xi32>
    %jit3A_108 = arith.constant 0xFF800000 : f32
    %broadcast_in_dim3A_109 = vector.broadcast %jit3A_108 : f32 to vector<32x8192xf32>
    %select_n3A_110 = arith.select %eq3A_107, %broadcast_in_dim3A_109, %select_n3A_94 : vector<32x8192xi1>, vector<32x8192xf32>
    %reduce_max3A_111 = arith.constant dense<0xFF800000> : vector<32xf32>
    %reduce_max3A_112 = vector.multi_reduction <maximumf>, %select_n3A_110, %reduce_max3A_111 [1] : vector<32x8192xf32> to vector<32xf32>
    %broadcast_in_dim3A_113 = vector.shape_cast %reduce_max3A_112 : vector<32xf32> to vector<32x1xf32>
    %eq3A_114 = vector.broadcast %broadcast_in_dim3A_113 : vector<32x1xf32> to vector<32x8192xf32>
    %eq3A_115 = arith.cmpf oeq, %select_n3A_110, %eq3A_114 : vector<32x8192xf32>
    %jit3A_116 = arith.constant 8192 : i32
    %broadcast_in_dim3A_117 = vector.broadcast %jit3A_116 : i32 to vector<32x8192xi32>
    %select_n3A_118 = arith.select %eq3A_115, %iota3A, %broadcast_in_dim3A_117 : vector<32x8192xi1>, vector<32x8192xi32>
    %reduce_min3A_119 = arith.constant dense<2147483647> : vector<32xi32>
    %reduce_min3A_120 = vector.multi_reduction <minsi>, %select_n3A_118, %reduce_min3A_119 [1] : vector<32x8192xi32> to vector<32xi32>
    %broadcast_in_dim3A_121 = vector.shape_cast %reduce_min3A_120 : vector<32xi32> to vector<32x1xi32>
    %eq3A_122 = vector.broadcast %broadcast_in_dim3A_121 : vector<32x1xi32> to vector<32x8192xi32>
    %eq3A_123 = arith.cmpi eq, %iota3A, %eq3A_122 : vector<32x8192xi32>
    %jit3A_124 = arith.constant 0xFF800000 : f32
    %broadcast_in_dim3A_125 = vector.broadcast %jit3A_124 : f32 to vector<32x8192xf32>
    %select_n3A_126 = arith.select %eq3A_123, %broadcast_in_dim3A_125, %select_n3A_110 : vector<32x8192xi1>, vector<32x8192xf32>
    %reduce_max3A_127 = arith.constant dense<0xFF800000> : vector<32xf32>
    %reduce_max3A_128 = vector.multi_reduction <maximumf>, %select_n3A_126, %reduce_max3A_127 [1] : vector<32x8192xf32> to vector<32xf32>
    %broadcast_in_dim3A_129 = vector.shape_cast %reduce_max3A_128 : vector<32xf32> to vector<32x1xf32>
    %eq3A_130 = vector.broadcast %broadcast_in_dim3A_129 : vector<32x1xf32> to vector<32x8192xf32>
    %eq3A_131 = arith.cmpf oeq, %select_n3A_126, %eq3A_130 : vector<32x8192xf32>
    %jit3A_132 = arith.constant 8192 : i32
    %broadcast_in_dim3A_133 = vector.broadcast %jit3A_132 : i32 to vector<32x8192xi32>
    %select_n3A_134 = arith.select %eq3A_131, %iota3A, %broadcast_in_dim3A_133 : vector<32x8192xi1>, vector<32x8192xi32>
    %reduce_min3A_135 = arith.constant dense<2147483647> : vector<32xi32>
    %reduce_min3A_136 = vector.multi_reduction <minsi>, %select_n3A_134, %reduce_min3A_135 [1] : vector<32x8192xi32> to vector<32xi32>
    %broadcast_in_dim3A_137 = vector.shape_cast %reduce_min3A_136 : vector<32xi32> to vector<32x1xi32>
    %eq3A_138 = vector.broadcast %broadcast_in_dim3A_137 : vector<32x1xi32> to vector<32x8192xi32>
    %eq3A_139 = arith.cmpi eq, %iota3A, %eq3A_138 : vector<32x8192xi32>
    %jit3A_140 = arith.constant 0xFF800000 : f32
    %broadcast_in_dim3A_141 = vector.broadcast %jit3A_140 : f32 to vector<32x8192xf32>
    %select_n3A_142 = arith.select %eq3A_139, %broadcast_in_dim3A_141, %select_n3A_126 : vector<32x8192xi1>, vector<32x8192xf32>
    %reduce_max3A_143 = arith.constant dense<0xFF800000> : vector<32xf32>
    %reduce_max3A_144 = vector.multi_reduction <maximumf>, %select_n3A_142, %reduce_max3A_143 [1] : vector<32x8192xf32> to vector<32xf32>
    %broadcast_in_dim3A_145 = vector.shape_cast %reduce_max3A_144 : vector<32xf32> to vector<32x1xf32>
    %eq3A_146 = vector.broadcast %broadcast_in_dim3A_145 : vector<32x1xf32> to vector<32x8192xf32>
    %eq3A_147 = arith.cmpf oeq, %select_n3A_142, %eq3A_146 : vector<32x8192xf32>
    %jit3A_148 = arith.constant 8192 : i32
    %broadcast_in_dim3A_149 = vector.broadcast %jit3A_148 : i32 to vector<32x8192xi32>
    %select_n3A_150 = arith.select %eq3A_147, %iota3A, %broadcast_in_dim3A_149 : vector<32x8192xi1>, vector<32x8192xi32>
    %reduce_min3A_151 = arith.constant dense<2147483647> : vector<32xi32>
    %reduce_min3A_152 = vector.multi_reduction <minsi>, %select_n3A_150, %reduce_min3A_151 [1] : vector<32x8192xi32> to vector<32xi32>
    %broadcast_in_dim3A_153 = vector.shape_cast %reduce_min3A_152 : vector<32xi32> to vector<32x1xi32>
    %eq3A_154 = vector.broadcast %broadcast_in_dim3A_153 : vector<32x1xi32> to vector<32x8192xi32>
    %eq3A_155 = arith.cmpi eq, %iota3A, %eq3A_154 : vector<32x8192xi32>
    %jit3A_156 = arith.constant 0xFF800000 : f32
    %broadcast_in_dim3A_157 = vector.broadcast %jit3A_156 : f32 to vector<32x8192xf32>
    %select_n3A_158 = arith.select %eq3A_155, %broadcast_in_dim3A_157, %select_n3A_142 : vector<32x8192xi1>, vector<32x8192xf32>
    %reduce_max3A_159 = arith.constant dense<0xFF800000> : vector<32xf32>
    %reduce_max3A_160 = vector.multi_reduction <maximumf>, %select_n3A_158, %reduce_max3A_159 [1] : vector<32x8192xf32> to vector<32xf32>
    %broadcast_in_dim3A_161 = vector.shape_cast %reduce_max3A_160 : vector<32xf32> to vector<32x1xf32>
    %eq3A_162 = vector.broadcast %broadcast_in_dim3A_161 : vector<32x1xf32> to vector<32x8192xf32>
    %eq3A_163 = arith.cmpf oeq, %select_n3A_158, %eq3A_162 : vector<32x8192xf32>
    %jit3A_164 = arith.constant 8192 : i32
    %broadcast_in_dim3A_165 = vector.broadcast %jit3A_164 : i32 to vector<32x8192xi32>
    %select_n3A_166 = arith.select %eq3A_163, %iota3A, %broadcast_in_dim3A_165 : vector<32x8192xi1>, vector<32x8192xi32>
    %reduce_min3A_167 = arith.constant dense<2147483647> : vector<32xi32>
    %reduce_min3A_168 = vector.multi_reduction <minsi>, %select_n3A_166, %reduce_min3A_167 [1] : vector<32x8192xi32> to vector<32xi32>
    %broadcast_in_dim3A_169 = vector.shape_cast %reduce_min3A_168 : vector<32xi32> to vector<32x1xi32>
    %eq3A_170 = vector.broadcast %broadcast_in_dim3A_169 : vector<32x1xi32> to vector<32x8192xi32>
    %eq3A_171 = arith.cmpi eq, %iota3A, %eq3A_170 : vector<32x8192xi32>
    %jit3A_172 = arith.constant 0xFF800000 : f32
    %broadcast_in_dim3A_173 = vector.broadcast %jit3A_172 : f32 to vector<32x8192xf32>
    %select_n3A_174 = arith.select %eq3A_171, %broadcast_in_dim3A_173, %select_n3A_158 : vector<32x8192xi1>, vector<32x8192xf32>
    %reduce_max3A_175 = arith.constant dense<0xFF800000> : vector<32xf32>
    %reduce_max3A_176 = vector.multi_reduction <maximumf>, %select_n3A_174, %reduce_max3A_175 [1] : vector<32x8192xf32> to vector<32xf32>
    %broadcast_in_dim3A_177 = vector.shape_cast %reduce_max3A_176 : vector<32xf32> to vector<32x1xf32>
    %eq3A_178 = vector.broadcast %broadcast_in_dim3A_177 : vector<32x1xf32> to vector<32x8192xf32>
    %eq3A_179 = arith.cmpf oeq, %select_n3A_174, %eq3A_178 : vector<32x8192xf32>
    %jit3A_180 = arith.constant 8192 : i32
    %broadcast_in_dim3A_181 = vector.broadcast %jit3A_180 : i32 to vector<32x8192xi32>
    %select_n3A_182 = arith.select %eq3A_179, %iota3A, %broadcast_in_dim3A_181 : vector<32x8192xi1>, vector<32x8192xi32>
    %reduce_min3A_183 = arith.constant dense<2147483647> : vector<32xi32>
    %reduce_min3A_184 = vector.multi_reduction <minsi>, %select_n3A_182, %reduce_min3A_183 [1] : vector<32x8192xi32> to vector<32xi32>
    %broadcast_in_dim3A_185 = vector.shape_cast %reduce_min3A_184 : vector<32xi32> to vector<32x1xi32>
    %eq3A_186 = vector.broadcast %broadcast_in_dim3A_185 : vector<32x1xi32> to vector<32x8192xi32>
    %eq3A_187 = arith.cmpi eq, %iota3A, %eq3A_186 : vector<32x8192xi32>
    %jit3A_188 = arith.constant 0xFF800000 : f32
    %broadcast_in_dim3A_189 = vector.broadcast %jit3A_188 : f32 to vector<32x8192xf32>
    %select_n3A_190 = arith.select %eq3A_187, %broadcast_in_dim3A_189, %select_n3A_174 : vector<32x8192xi1>, vector<32x8192xf32>
    %reduce_max3A_191 = arith.constant dense<0xFF800000> : vector<32xf32>
    %reduce_max3A_192 = vector.multi_reduction <maximumf>, %select_n3A_190, %reduce_max3A_191 [1] : vector<32x8192xf32> to vector<32xf32>
    %broadcast_in_dim3A_193 = vector.shape_cast %reduce_max3A_192 : vector<32xf32> to vector<32x1xf32>
    %eq3A_194 = vector.broadcast %broadcast_in_dim3A_193 : vector<32x1xf32> to vector<32x8192xf32>
    %eq3A_195 = arith.cmpf oeq, %select_n3A_190, %eq3A_194 : vector<32x8192xf32>
    %jit3A_196 = arith.constant 8192 : i32
    %broadcast_in_dim3A_197 = vector.broadcast %jit3A_196 : i32 to vector<32x8192xi32>
    %select_n3A_198 = arith.select %eq3A_195, %iota3A, %broadcast_in_dim3A_197 : vector<32x8192xi1>, vector<32x8192xi32>
    %reduce_min3A_199 = arith.constant dense<2147483647> : vector<32xi32>
    %reduce_min3A_200 = vector.multi_reduction <minsi>, %select_n3A_198, %reduce_min3A_199 [1] : vector<32x8192xi32> to vector<32xi32>
    %broadcast_in_dim3A_201 = vector.shape_cast %reduce_min3A_200 : vector<32xi32> to vector<32x1xi32>
    %eq3A_202 = vector.broadcast %broadcast_in_dim3A_201 : vector<32x1xi32> to vector<32x8192xi32>
    %eq3A_203 = arith.cmpi eq, %iota3A, %eq3A_202 : vector<32x8192xi32>
    %jit3A_204 = arith.constant 0xFF800000 : f32
    %broadcast_in_dim3A_205 = vector.broadcast %jit3A_204 : f32 to vector<32x8192xf32>
    %select_n3A_206 = arith.select %eq3A_203, %broadcast_in_dim3A_205, %select_n3A_190 : vector<32x8192xi1>, vector<32x8192xf32>
    %reduce_max3A_207 = arith.constant dense<0xFF800000> : vector<32xf32>
    %reduce_max3A_208 = vector.multi_reduction <maximumf>, %select_n3A_206, %reduce_max3A_207 [1] : vector<32x8192xf32> to vector<32xf32>
    %broadcast_in_dim3A_209 = vector.shape_cast %reduce_max3A_208 : vector<32xf32> to vector<32x1xf32>
    %eq3A_210 = vector.broadcast %broadcast_in_dim3A_209 : vector<32x1xf32> to vector<32x8192xf32>
    %eq3A_211 = arith.cmpf oeq, %select_n3A_206, %eq3A_210 : vector<32x8192xf32>
    %jit3A_212 = arith.constant 8192 : i32
    %broadcast_in_dim3A_213 = vector.broadcast %jit3A_212 : i32 to vector<32x8192xi32>
    %select_n3A_214 = arith.select %eq3A_211, %iota3A, %broadcast_in_dim3A_213 : vector<32x8192xi1>, vector<32x8192xi32>
    %reduce_min3A_215 = arith.constant dense<2147483647> : vector<32xi32>
    %reduce_min3A_216 = vector.multi_reduction <minsi>, %select_n3A_214, %reduce_min3A_215 [1] : vector<32x8192xi32> to vector<32xi32>
    %broadcast_in_dim3A_217 = vector.shape_cast %reduce_min3A_216 : vector<32xi32> to vector<32x1xi32>
    %eq3A_218 = vector.broadcast %broadcast_in_dim3A_217 : vector<32x1xi32> to vector<32x8192xi32>
    %eq3A_219 = arith.cmpi eq, %iota3A, %eq3A_218 : vector<32x8192xi32>
    %jit3A_220 = arith.constant 0xFF800000 : f32
    %broadcast_in_dim3A_221 = vector.broadcast %jit3A_220 : f32 to vector<32x8192xf32>
    %select_n3A_222 = arith.select %eq3A_219, %broadcast_in_dim3A_221, %select_n3A_206 : vector<32x8192xi1>, vector<32x8192xf32>
    %reduce_max3A_223 = arith.constant dense<0xFF800000> : vector<32xf32>
    %reduce_max3A_224 = vector.multi_reduction <maximumf>, %select_n3A_222, %reduce_max3A_223 [1] : vector<32x8192xf32> to vector<32xf32>
    %broadcast_in_dim3A_225 = vector.shape_cast %reduce_max3A_224 : vector<32xf32> to vector<32x1xf32>
    %eq3A_226 = vector.broadcast %broadcast_in_dim3A_225 : vector<32x1xf32> to vector<32x8192xf32>
    %eq3A_227 = arith.cmpf oeq, %select_n3A_222, %eq3A_226 : vector<32x8192xf32>
    %jit3A_228 = arith.constant 8192 : i32
    %broadcast_in_dim3A_229 = vector.broadcast %jit3A_228 : i32 to vector<32x8192xi32>
    %select_n3A_230 = arith.select %eq3A_227, %iota3A, %broadcast_in_dim3A_229 : vector<32x8192xi1>, vector<32x8192xi32>
    %reduce_min3A_231 = arith.constant dense<2147483647> : vector<32xi32>
    %reduce_min3A_232 = vector.multi_reduction <minsi>, %select_n3A_230, %reduce_min3A_231 [1] : vector<32x8192xi32> to vector<32xi32>
    %broadcast_in_dim3A_233 = vector.shape_cast %reduce_min3A_232 : vector<32xi32> to vector<32x1xi32>
    %eq3A_234 = vector.broadcast %broadcast_in_dim3A_233 : vector<32x1xi32> to vector<32x8192xi32>
    %eq3A_235 = arith.cmpi eq, %iota3A, %eq3A_234 : vector<32x8192xi32>
    %jit3A_236 = arith.constant 0xFF800000 : f32
    %broadcast_in_dim3A_237 = vector.broadcast %jit3A_236 : f32 to vector<32x8192xf32>
    %select_n3A_238 = arith.select %eq3A_235, %broadcast_in_dim3A_237, %select_n3A_222 : vector<32x8192xi1>, vector<32x8192xf32>
    %reduce_max3A_239 = arith.constant dense<0xFF800000> : vector<32xf32>
    %reduce_max3A_240 = vector.multi_reduction <maximumf>, %select_n3A_238, %reduce_max3A_239 [1] : vector<32x8192xf32> to vector<32xf32>
    %broadcast_in_dim3A_241 = vector.shape_cast %reduce_max3A_240 : vector<32xf32> to vector<32x1xf32>
    %eq3A_242 = vector.broadcast %broadcast_in_dim3A_241 : vector<32x1xf32> to vector<32x8192xf32>
    %eq3A_243 = arith.cmpf oeq, %select_n3A_238, %eq3A_242 : vector<32x8192xf32>
    %jit3A_244 = arith.constant 8192 : i32
    %broadcast_in_dim3A_245 = vector.broadcast %jit3A_244 : i32 to vector<32x8192xi32>
    %select_n3A_246 = arith.select %eq3A_243, %iota3A, %broadcast_in_dim3A_245 : vector<32x8192xi1>, vector<32x8192xi32>
    %reduce_min3A_247 = arith.constant dense<2147483647> : vector<32xi32>
    %reduce_min3A_248 = vector.multi_reduction <minsi>, %select_n3A_246, %reduce_min3A_247 [1] : vector<32x8192xi32> to vector<32xi32>
    %broadcast_in_dim3A_249 = vector.shape_cast %reduce_min3A_248 : vector<32xi32> to vector<32x1xi32>
    %eq3A_250 = vector.broadcast %broadcast_in_dim3A_249 : vector<32x1xi32> to vector<32x8192xi32>
    %eq3A_251 = arith.cmpi eq, %iota3A, %eq3A_250 : vector<32x8192xi32>
    %jit3A_252 = arith.constant 0xFF800000 : f32
    %broadcast_in_dim3A_253 = vector.broadcast %jit3A_252 : f32 to vector<32x8192xf32>
    %select_n3A_254 = arith.select %eq3A_251, %broadcast_in_dim3A_253, %select_n3A_238 : vector<32x8192xi1>, vector<32x8192xf32>
    %reduce_max3A_255 = arith.constant dense<0xFF800000> : vector<32xf32>
    %reduce_max3A_256 = vector.multi_reduction <maximumf>, %select_n3A_254, %reduce_max3A_255 [1] : vector<32x8192xf32> to vector<32xf32>
    %broadcast_in_dim3A_257 = vector.shape_cast %reduce_max3A_256 : vector<32xf32> to vector<32x1xf32>
    %eq3A_258 = vector.broadcast %broadcast_in_dim3A_257 : vector<32x1xf32> to vector<32x8192xf32>
    %eq3A_259 = arith.cmpf oeq, %select_n3A_254, %eq3A_258 : vector<32x8192xf32>
    %jit3A_260 = arith.constant 8192 : i32
    %broadcast_in_dim3A_261 = vector.broadcast %jit3A_260 : i32 to vector<32x8192xi32>
    %select_n3A_262 = arith.select %eq3A_259, %iota3A, %broadcast_in_dim3A_261 : vector<32x8192xi1>, vector<32x8192xi32>
    %reduce_min3A_263 = arith.constant dense<2147483647> : vector<32xi32>
    %reduce_min3A_264 = vector.multi_reduction <minsi>, %select_n3A_262, %reduce_min3A_263 [1] : vector<32x8192xi32> to vector<32xi32>
    %broadcast_in_dim3A_265 = vector.shape_cast %reduce_min3A_264 : vector<32xi32> to vector<32x1xi32>
    %eq3A_266 = vector.broadcast %broadcast_in_dim3A_265 : vector<32x1xi32> to vector<32x8192xi32>
    %eq3A_267 = arith.cmpi eq, %iota3A, %eq3A_266 : vector<32x8192xi32>
    %jit3A_268 = arith.constant 0xFF800000 : f32
    %broadcast_in_dim3A_269 = vector.broadcast %jit3A_268 : f32 to vector<32x8192xf32>
    %select_n3A_270 = arith.select %eq3A_267, %broadcast_in_dim3A_269, %select_n3A_254 : vector<32x8192xi1>, vector<32x8192xf32>
    %reduce_max3A_271 = arith.constant dense<0xFF800000> : vector<32xf32>
    %reduce_max3A_272 = vector.multi_reduction <maximumf>, %select_n3A_270, %reduce_max3A_271 [1] : vector<32x8192xf32> to vector<32xf32>
    %broadcast_in_dim3A_273 = vector.shape_cast %reduce_max3A_272 : vector<32xf32> to vector<32x1xf32>
    %eq3A_274 = vector.broadcast %broadcast_in_dim3A_273 : vector<32x1xf32> to vector<32x8192xf32>
    %eq3A_275 = arith.cmpf oeq, %select_n3A_270, %eq3A_274 : vector<32x8192xf32>
    %jit3A_276 = arith.constant 8192 : i32
    %broadcast_in_dim3A_277 = vector.broadcast %jit3A_276 : i32 to vector<32x8192xi32>
    %select_n3A_278 = arith.select %eq3A_275, %iota3A, %broadcast_in_dim3A_277 : vector<32x8192xi1>, vector<32x8192xi32>
    %reduce_min3A_279 = arith.constant dense<2147483647> : vector<32xi32>
    %reduce_min3A_280 = vector.multi_reduction <minsi>, %select_n3A_278, %reduce_min3A_279 [1] : vector<32x8192xi32> to vector<32xi32>
    %broadcast_in_dim3A_281 = vector.shape_cast %reduce_min3A_280 : vector<32xi32> to vector<32x1xi32>
    %eq3A_282 = vector.broadcast %broadcast_in_dim3A_281 : vector<32x1xi32> to vector<32x8192xi32>
    %eq3A_283 = arith.cmpi eq, %iota3A, %eq3A_282 : vector<32x8192xi32>
    %jit3A_284 = arith.constant 0xFF800000 : f32
    %broadcast_in_dim3A_285 = vector.broadcast %jit3A_284 : f32 to vector<32x8192xf32>
    %select_n3A_286 = arith.select %eq3A_283, %broadcast_in_dim3A_285, %select_n3A_270 : vector<32x8192xi1>, vector<32x8192xf32>
    %reduce_max3A_287 = arith.constant dense<0xFF800000> : vector<32xf32>
    %reduce_max3A_288 = vector.multi_reduction <maximumf>, %select_n3A_286, %reduce_max3A_287 [1] : vector<32x8192xf32> to vector<32xf32>
    %broadcast_in_dim3A_289 = vector.shape_cast %reduce_max3A_288 : vector<32xf32> to vector<32x1xf32>
    %eq3A_290 = vector.broadcast %broadcast_in_dim3A_289 : vector<32x1xf32> to vector<32x8192xf32>
    %eq3A_291 = arith.cmpf oeq, %select_n3A_286, %eq3A_290 : vector<32x8192xf32>
    %jit3A_292 = arith.constant 8192 : i32
    %broadcast_in_dim3A_293 = vector.broadcast %jit3A_292 : i32 to vector<32x8192xi32>
    %select_n3A_294 = arith.select %eq3A_291, %iota3A, %broadcast_in_dim3A_293 : vector<32x8192xi1>, vector<32x8192xi32>
    %reduce_min3A_295 = arith.constant dense<2147483647> : vector<32xi32>
    %reduce_min3A_296 = vector.multi_reduction <minsi>, %select_n3A_294, %reduce_min3A_295 [1] : vector<32x8192xi32> to vector<32xi32>
    %broadcast_in_dim3A_297 = vector.shape_cast %reduce_min3A_296 : vector<32xi32> to vector<32x1xi32>
    %eq3A_298 = vector.broadcast %broadcast_in_dim3A_297 : vector<32x1xi32> to vector<32x8192xi32>
    %eq3A_299 = arith.cmpi eq, %iota3A, %eq3A_298 : vector<32x8192xi32>
    %jit3A_300 = arith.constant 0xFF800000 : f32
    %broadcast_in_dim3A_301 = vector.broadcast %jit3A_300 : f32 to vector<32x8192xf32>
    %select_n3A_302 = arith.select %eq3A_299, %broadcast_in_dim3A_301, %select_n3A_286 : vector<32x8192xi1>, vector<32x8192xf32>
    %reduce_max3A_303 = arith.constant dense<0xFF800000> : vector<32xf32>
    %reduce_max3A_304 = vector.multi_reduction <maximumf>, %select_n3A_302, %reduce_max3A_303 [1] : vector<32x8192xf32> to vector<32xf32>
    %broadcast_in_dim3A_305 = vector.shape_cast %reduce_max3A_304 : vector<32xf32> to vector<32x1xf32>
    %eq3A_306 = vector.broadcast %broadcast_in_dim3A_305 : vector<32x1xf32> to vector<32x8192xf32>
    %eq3A_307 = arith.cmpf oeq, %select_n3A_302, %eq3A_306 : vector<32x8192xf32>
    %jit3A_308 = arith.constant 8192 : i32
    %broadcast_in_dim3A_309 = vector.broadcast %jit3A_308 : i32 to vector<32x8192xi32>
    %select_n3A_310 = arith.select %eq3A_307, %iota3A, %broadcast_in_dim3A_309 : vector<32x8192xi1>, vector<32x8192xi32>
    %reduce_min3A_311 = arith.constant dense<2147483647> : vector<32xi32>
    %reduce_min3A_312 = vector.multi_reduction <minsi>, %select_n3A_310, %reduce_min3A_311 [1] : vector<32x8192xi32> to vector<32xi32>
    %broadcast_in_dim3A_313 = vector.shape_cast %reduce_min3A_312 : vector<32xi32> to vector<32x1xi32>
    %eq3A_314 = vector.broadcast %broadcast_in_dim3A_313 : vector<32x1xi32> to vector<32x8192xi32>
    %eq3A_315 = arith.cmpi eq, %iota3A, %eq3A_314 : vector<32x8192xi32>
    %jit3A_316 = arith.constant 0xFF800000 : f32
    %broadcast_in_dim3A_317 = vector.broadcast %jit3A_316 : f32 to vector<32x8192xf32>
    %select_n3A_318 = arith.select %eq3A_315, %broadcast_in_dim3A_317, %select_n3A_302 : vector<32x8192xi1>, vector<32x8192xf32>
    %reduce_max3A_319 = arith.constant dense<0xFF800000> : vector<32xf32>
    %reduce_max3A_320 = vector.multi_reduction <maximumf>, %select_n3A_318, %reduce_max3A_319 [1] : vector<32x8192xf32> to vector<32xf32>
    %broadcast_in_dim3A_321 = vector.shape_cast %reduce_max3A_320 : vector<32xf32> to vector<32x1xf32>
    %eq3A_322 = vector.broadcast %broadcast_in_dim3A_321 : vector<32x1xf32> to vector<32x8192xf32>
    %eq3A_323 = arith.cmpf oeq, %select_n3A_318, %eq3A_322 : vector<32x8192xf32>
    %jit3A_324 = arith.constant 8192 : i32
    %broadcast_in_dim3A_325 = vector.broadcast %jit3A_324 : i32 to vector<32x8192xi32>
    %select_n3A_326 = arith.select %eq3A_323, %iota3A, %broadcast_in_dim3A_325 : vector<32x8192xi1>, vector<32x8192xi32>
    %reduce_min3A_327 = arith.constant dense<2147483647> : vector<32xi32>
    %reduce_min3A_328 = vector.multi_reduction <minsi>, %select_n3A_326, %reduce_min3A_327 [1] : vector<32x8192xi32> to vector<32xi32>
    %broadcast_in_dim3A_329 = vector.shape_cast %reduce_min3A_328 : vector<32xi32> to vector<32x1xi32>
    %eq3A_330 = vector.broadcast %broadcast_in_dim3A_329 : vector<32x1xi32> to vector<32x8192xi32>
    %eq3A_331 = arith.cmpi eq, %iota3A, %eq3A_330 : vector<32x8192xi32>
    %jit3A_332 = arith.constant 0xFF800000 : f32
    %broadcast_in_dim3A_333 = vector.broadcast %jit3A_332 : f32 to vector<32x8192xf32>
    %select_n3A_334 = arith.select %eq3A_331, %broadcast_in_dim3A_333, %select_n3A_318 : vector<32x8192xi1>, vector<32x8192xf32>
    %reduce_max3A_335 = arith.constant dense<0xFF800000> : vector<32xf32>
    %reduce_max3A_336 = vector.multi_reduction <maximumf>, %select_n3A_334, %reduce_max3A_335 [1] : vector<32x8192xf32> to vector<32xf32>
    %broadcast_in_dim3A_337 = vector.shape_cast %reduce_max3A_336 : vector<32xf32> to vector<32x1xf32>
    %eq3A_338 = vector.broadcast %broadcast_in_dim3A_337 : vector<32x1xf32> to vector<32x8192xf32>
    %eq3A_339 = arith.cmpf oeq, %select_n3A_334, %eq3A_338 : vector<32x8192xf32>
    %jit3A_340 = arith.constant 8192 : i32
    %broadcast_in_dim3A_341 = vector.broadcast %jit3A_340 : i32 to vector<32x8192xi32>
    %select_n3A_342 = arith.select %eq3A_339, %iota3A, %broadcast_in_dim3A_341 : vector<32x8192xi1>, vector<32x8192xi32>
    %reduce_min3A_343 = arith.constant dense<2147483647> : vector<32xi32>
    %reduce_min3A_344 = vector.multi_reduction <minsi>, %select_n3A_342, %reduce_min3A_343 [1] : vector<32x8192xi32> to vector<32xi32>
    %broadcast_in_dim3A_345 = vector.shape_cast %reduce_min3A_344 : vector<32xi32> to vector<32x1xi32>
    %eq3A_346 = vector.broadcast %broadcast_in_dim3A_345 : vector<32x1xi32> to vector<32x8192xi32>
    %eq3A_347 = arith.cmpi eq, %iota3A, %eq3A_346 : vector<32x8192xi32>
    %jit3A_348 = arith.constant 0xFF800000 : f32
    %broadcast_in_dim3A_349 = vector.broadcast %jit3A_348 : f32 to vector<32x8192xf32>
    %select_n3A_350 = arith.select %eq3A_347, %broadcast_in_dim3A_349, %select_n3A_334 : vector<32x8192xi1>, vector<32x8192xf32>
    %reduce_max3A_351 = arith.constant dense<0xFF800000> : vector<32xf32>
    %reduce_max3A_352 = vector.multi_reduction <maximumf>, %select_n3A_350, %reduce_max3A_351 [1] : vector<32x8192xf32> to vector<32xf32>
    %broadcast_in_dim3A_353 = vector.shape_cast %reduce_max3A_352 : vector<32xf32> to vector<32x1xf32>
    %eq3A_354 = vector.broadcast %broadcast_in_dim3A_353 : vector<32x1xf32> to vector<32x8192xf32>
    %eq3A_355 = arith.cmpf oeq, %select_n3A_350, %eq3A_354 : vector<32x8192xf32>
    %jit3A_356 = arith.constant 8192 : i32
    %broadcast_in_dim3A_357 = vector.broadcast %jit3A_356 : i32 to vector<32x8192xi32>
    %select_n3A_358 = arith.select %eq3A_355, %iota3A, %broadcast_in_dim3A_357 : vector<32x8192xi1>, vector<32x8192xi32>
    %reduce_min3A_359 = arith.constant dense<2147483647> : vector<32xi32>
    %reduce_min3A_360 = vector.multi_reduction <minsi>, %select_n3A_358, %reduce_min3A_359 [1] : vector<32x8192xi32> to vector<32xi32>
    %broadcast_in_dim3A_361 = vector.shape_cast %reduce_min3A_360 : vector<32xi32> to vector<32x1xi32>
    %eq3A_362 = vector.broadcast %broadcast_in_dim3A_361 : vector<32x1xi32> to vector<32x8192xi32>
    %eq3A_363 = arith.cmpi eq, %iota3A, %eq3A_362 : vector<32x8192xi32>
    %jit3A_364 = arith.constant 0xFF800000 : f32
    %broadcast_in_dim3A_365 = vector.broadcast %jit3A_364 : f32 to vector<32x8192xf32>
    %select_n3A_366 = arith.select %eq3A_363, %broadcast_in_dim3A_365, %select_n3A_350 : vector<32x8192xi1>, vector<32x8192xf32>
    %reduce_max3A_367 = arith.constant dense<0xFF800000> : vector<32xf32>
    %reduce_max3A_368 = vector.multi_reduction <maximumf>, %select_n3A_366, %reduce_max3A_367 [1] : vector<32x8192xf32> to vector<32xf32>
    %broadcast_in_dim3A_369 = vector.shape_cast %reduce_max3A_368 : vector<32xf32> to vector<32x1xf32>
    %eq3A_370 = vector.broadcast %broadcast_in_dim3A_369 : vector<32x1xf32> to vector<32x8192xf32>
    %eq3A_371 = arith.cmpf oeq, %select_n3A_366, %eq3A_370 : vector<32x8192xf32>
    %jit3A_372 = arith.constant 8192 : i32
    %broadcast_in_dim3A_373 = vector.broadcast %jit3A_372 : i32 to vector<32x8192xi32>
    %select_n3A_374 = arith.select %eq3A_371, %iota3A, %broadcast_in_dim3A_373 : vector<32x8192xi1>, vector<32x8192xi32>
    %reduce_min3A_375 = arith.constant dense<2147483647> : vector<32xi32>
    %reduce_min3A_376 = vector.multi_reduction <minsi>, %select_n3A_374, %reduce_min3A_375 [1] : vector<32x8192xi32> to vector<32xi32>
    %broadcast_in_dim3A_377 = vector.shape_cast %reduce_min3A_376 : vector<32xi32> to vector<32x1xi32>
    %eq3A_378 = vector.broadcast %broadcast_in_dim3A_377 : vector<32x1xi32> to vector<32x8192xi32>
    %eq3A_379 = arith.cmpi eq, %iota3A, %eq3A_378 : vector<32x8192xi32>
    %jit3A_380 = arith.constant 0xFF800000 : f32
    %broadcast_in_dim3A_381 = vector.broadcast %jit3A_380 : f32 to vector<32x8192xf32>
    %select_n3A_382 = arith.select %eq3A_379, %broadcast_in_dim3A_381, %select_n3A_366 : vector<32x8192xi1>, vector<32x8192xf32>
    %reduce_max3A_383 = arith.constant dense<0xFF800000> : vector<32xf32>
    %reduce_max3A_384 = vector.multi_reduction <maximumf>, %select_n3A_382, %reduce_max3A_383 [1] : vector<32x8192xf32> to vector<32xf32>
    %broadcast_in_dim3A_385 = vector.shape_cast %reduce_max3A_384 : vector<32xf32> to vector<32x1xf32>
    %eq3A_386 = vector.broadcast %broadcast_in_dim3A_385 : vector<32x1xf32> to vector<32x8192xf32>
    %eq3A_387 = arith.cmpf oeq, %select_n3A_382, %eq3A_386 : vector<32x8192xf32>
    %jit3A_388 = arith.constant 8192 : i32
    %broadcast_in_dim3A_389 = vector.broadcast %jit3A_388 : i32 to vector<32x8192xi32>
    %select_n3A_390 = arith.select %eq3A_387, %iota3A, %broadcast_in_dim3A_389 : vector<32x8192xi1>, vector<32x8192xi32>
    %reduce_min3A_391 = arith.constant dense<2147483647> : vector<32xi32>
    %reduce_min3A_392 = vector.multi_reduction <minsi>, %select_n3A_390, %reduce_min3A_391 [1] : vector<32x8192xi32> to vector<32xi32>
    %broadcast_in_dim3A_393 = vector.shape_cast %reduce_min3A_392 : vector<32xi32> to vector<32x1xi32>
    %eq3A_394 = vector.broadcast %broadcast_in_dim3A_393 : vector<32x1xi32> to vector<32x8192xi32>
    %eq3A_395 = arith.cmpi eq, %iota3A, %eq3A_394 : vector<32x8192xi32>
    %jit3A_396 = arith.constant 0xFF800000 : f32
    %broadcast_in_dim3A_397 = vector.broadcast %jit3A_396 : f32 to vector<32x8192xf32>
    %select_n3A_398 = arith.select %eq3A_395, %broadcast_in_dim3A_397, %select_n3A_382 : vector<32x8192xi1>, vector<32x8192xf32>
    %reduce_max3A_399 = arith.constant dense<0xFF800000> : vector<32xf32>
    %reduce_max3A_400 = vector.multi_reduction <maximumf>, %select_n3A_398, %reduce_max3A_399 [1] : vector<32x8192xf32> to vector<32xf32>
    %broadcast_in_dim3A_401 = vector.shape_cast %reduce_max3A_400 : vector<32xf32> to vector<32x1xf32>
    %eq3A_402 = vector.broadcast %broadcast_in_dim3A_401 : vector<32x1xf32> to vector<32x8192xf32>
    %eq3A_403 = arith.cmpf oeq, %select_n3A_398, %eq3A_402 : vector<32x8192xf32>
    %jit3A_404 = arith.constant 8192 : i32
    %broadcast_in_dim3A_405 = vector.broadcast %jit3A_404 : i32 to vector<32x8192xi32>
    %select_n3A_406 = arith.select %eq3A_403, %iota3A, %broadcast_in_dim3A_405 : vector<32x8192xi1>, vector<32x8192xi32>
    %reduce_min3A_407 = arith.constant dense<2147483647> : vector<32xi32>
    %reduce_min3A_408 = vector.multi_reduction <minsi>, %select_n3A_406, %reduce_min3A_407 [1] : vector<32x8192xi32> to vector<32xi32>
    %broadcast_in_dim3A_409 = vector.shape_cast %reduce_min3A_408 : vector<32xi32> to vector<32x1xi32>
    %eq3A_410 = vector.broadcast %broadcast_in_dim3A_409 : vector<32x1xi32> to vector<32x8192xi32>
    %eq3A_411 = arith.cmpi eq, %iota3A, %eq3A_410 : vector<32x8192xi32>
    %jit3A_412 = arith.constant 0xFF800000 : f32
    %broadcast_in_dim3A_413 = vector.broadcast %jit3A_412 : f32 to vector<32x8192xf32>
    %select_n3A_414 = arith.select %eq3A_411, %broadcast_in_dim3A_413, %select_n3A_398 : vector<32x8192xi1>, vector<32x8192xf32>
    %reduce_max3A_415 = arith.constant dense<0xFF800000> : vector<32xf32>
    %reduce_max3A_416 = vector.multi_reduction <maximumf>, %select_n3A_414, %reduce_max3A_415 [1] : vector<32x8192xf32> to vector<32xf32>
    %broadcast_in_dim3A_417 = vector.shape_cast %reduce_max3A_416 : vector<32xf32> to vector<32x1xf32>
    %eq3A_418 = vector.broadcast %broadcast_in_dim3A_417 : vector<32x1xf32> to vector<32x8192xf32>
    %eq3A_419 = arith.cmpf oeq, %select_n3A_414, %eq3A_418 : vector<32x8192xf32>
    %jit3A_420 = arith.constant 8192 : i32
    %broadcast_in_dim3A_421 = vector.broadcast %jit3A_420 : i32 to vector<32x8192xi32>
    %select_n3A_422 = arith.select %eq3A_419, %iota3A, %broadcast_in_dim3A_421 : vector<32x8192xi1>, vector<32x8192xi32>
    %reduce_min3A_423 = arith.constant dense<2147483647> : vector<32xi32>
    %reduce_min3A_424 = vector.multi_reduction <minsi>, %select_n3A_422, %reduce_min3A_423 [1] : vector<32x8192xi32> to vector<32xi32>
    %broadcast_in_dim3A_425 = vector.shape_cast %reduce_min3A_424 : vector<32xi32> to vector<32x1xi32>
    %eq3A_426 = vector.broadcast %broadcast_in_dim3A_425 : vector<32x1xi32> to vector<32x8192xi32>
    %eq3A_427 = arith.cmpi eq, %iota3A, %eq3A_426 : vector<32x8192xi32>
    %jit3A_428 = arith.constant 0xFF800000 : f32
    %broadcast_in_dim3A_429 = vector.broadcast %jit3A_428 : f32 to vector<32x8192xf32>
    %select_n3A_430 = arith.select %eq3A_427, %broadcast_in_dim3A_429, %select_n3A_414 : vector<32x8192xi1>, vector<32x8192xf32>
    %reduce_max3A_431 = arith.constant dense<0xFF800000> : vector<32xf32>
    %reduce_max3A_432 = vector.multi_reduction <maximumf>, %select_n3A_430, %reduce_max3A_431 [1] : vector<32x8192xf32> to vector<32xf32>
    %broadcast_in_dim3A_433 = vector.shape_cast %reduce_max3A_432 : vector<32xf32> to vector<32x1xf32>
    %eq3A_434 = vector.broadcast %broadcast_in_dim3A_433 : vector<32x1xf32> to vector<32x8192xf32>
    %eq3A_435 = arith.cmpf oeq, %select_n3A_430, %eq3A_434 : vector<32x8192xf32>
    %jit3A_436 = arith.constant 8192 : i32
    %broadcast_in_dim3A_437 = vector.broadcast %jit3A_436 : i32 to vector<32x8192xi32>
    %select_n3A_438 = arith.select %eq3A_435, %iota3A, %broadcast_in_dim3A_437 : vector<32x8192xi1>, vector<32x8192xi32>
    %reduce_min3A_439 = arith.constant dense<2147483647> : vector<32xi32>
    %reduce_min3A_440 = vector.multi_reduction <minsi>, %select_n3A_438, %reduce_min3A_439 [1] : vector<32x8192xi32> to vector<32xi32>
    %broadcast_in_dim3A_441 = vector.shape_cast %reduce_min3A_440 : vector<32xi32> to vector<32x1xi32>
    %eq3A_442 = vector.broadcast %broadcast_in_dim3A_441 : vector<32x1xi32> to vector<32x8192xi32>
    %eq3A_443 = arith.cmpi eq, %iota3A, %eq3A_442 : vector<32x8192xi32>
    %jit3A_444 = arith.constant 0xFF800000 : f32
    %broadcast_in_dim3A_445 = vector.broadcast %jit3A_444 : f32 to vector<32x8192xf32>
    %select_n3A_446 = arith.select %eq3A_443, %broadcast_in_dim3A_445, %select_n3A_430 : vector<32x8192xi1>, vector<32x8192xf32>
    %reduce_max3A_447 = arith.constant dense<0xFF800000> : vector<32xf32>
    %reduce_max3A_448 = vector.multi_reduction <maximumf>, %select_n3A_446, %reduce_max3A_447 [1] : vector<32x8192xf32> to vector<32xf32>
    %broadcast_in_dim3A_449 = vector.shape_cast %reduce_max3A_448 : vector<32xf32> to vector<32x1xf32>
    %eq3A_450 = vector.broadcast %broadcast_in_dim3A_449 : vector<32x1xf32> to vector<32x8192xf32>
    %eq3A_451 = arith.cmpf oeq, %select_n3A_446, %eq3A_450 : vector<32x8192xf32>
    %jit3A_452 = arith.constant 8192 : i32
    %broadcast_in_dim3A_453 = vector.broadcast %jit3A_452 : i32 to vector<32x8192xi32>
    %select_n3A_454 = arith.select %eq3A_451, %iota3A, %broadcast_in_dim3A_453 : vector<32x8192xi1>, vector<32x8192xi32>
    %reduce_min3A_455 = arith.constant dense<2147483647> : vector<32xi32>
    %reduce_min3A_456 = vector.multi_reduction <minsi>, %select_n3A_454, %reduce_min3A_455 [1] : vector<32x8192xi32> to vector<32xi32>
    %broadcast_in_dim3A_457 = vector.shape_cast %reduce_min3A_456 : vector<32xi32> to vector<32x1xi32>
    %eq3A_458 = vector.broadcast %broadcast_in_dim3A_457 : vector<32x1xi32> to vector<32x8192xi32>
    %eq3A_459 = arith.cmpi eq, %iota3A, %eq3A_458 : vector<32x8192xi32>
    %jit3A_460 = arith.constant 0xFF800000 : f32
    %broadcast_in_dim3A_461 = vector.broadcast %jit3A_460 : f32 to vector<32x8192xf32>
    %select_n3A_462 = arith.select %eq3A_459, %broadcast_in_dim3A_461, %select_n3A_446 : vector<32x8192xi1>, vector<32x8192xf32>
    %reduce_max3A_463 = arith.constant dense<0xFF800000> : vector<32xf32>
    %reduce_max3A_464 = vector.multi_reduction <maximumf>, %select_n3A_462, %reduce_max3A_463 [1] : vector<32x8192xf32> to vector<32xf32>
    %broadcast_in_dim3A_465 = vector.shape_cast %reduce_max3A_464 : vector<32xf32> to vector<32x1xf32>
    %eq3A_466 = vector.broadcast %broadcast_in_dim3A_465 : vector<32x1xf32> to vector<32x8192xf32>
    %eq3A_467 = arith.cmpf oeq, %select_n3A_462, %eq3A_466 : vector<32x8192xf32>
    %jit3A_468 = arith.constant 8192 : i32
    %broadcast_in_dim3A_469 = vector.broadcast %jit3A_468 : i32 to vector<32x8192xi32>
    %select_n3A_470 = arith.select %eq3A_467, %iota3A, %broadcast_in_dim3A_469 : vector<32x8192xi1>, vector<32x8192xi32>
    %reduce_min3A_471 = arith.constant dense<2147483647> : vector<32xi32>
    %reduce_min3A_472 = vector.multi_reduction <minsi>, %select_n3A_470, %reduce_min3A_471 [1] : vector<32x8192xi32> to vector<32xi32>
    %broadcast_in_dim3A_473 = vector.shape_cast %reduce_min3A_472 : vector<32xi32> to vector<32x1xi32>
    %eq3A_474 = vector.broadcast %broadcast_in_dim3A_473 : vector<32x1xi32> to vector<32x8192xi32>
    %eq3A_475 = arith.cmpi eq, %iota3A, %eq3A_474 : vector<32x8192xi32>
    %jit3A_476 = arith.constant 0xFF800000 : f32
    %broadcast_in_dim3A_477 = vector.broadcast %jit3A_476 : f32 to vector<32x8192xf32>
    %select_n3A_478 = arith.select %eq3A_475, %broadcast_in_dim3A_477, %select_n3A_462 : vector<32x8192xi1>, vector<32x8192xf32>
    %reduce_max3A_479 = arith.constant dense<0xFF800000> : vector<32xf32>
    %reduce_max3A_480 = vector.multi_reduction <maximumf>, %select_n3A_478, %reduce_max3A_479 [1] : vector<32x8192xf32> to vector<32xf32>
    %broadcast_in_dim3A_481 = vector.shape_cast %reduce_max3A_480 : vector<32xf32> to vector<32x1xf32>
    %eq3A_482 = vector.broadcast %broadcast_in_dim3A_481 : vector<32x1xf32> to vector<32x8192xf32>
    %eq3A_483 = arith.cmpf oeq, %select_n3A_478, %eq3A_482 : vector<32x8192xf32>
    %jit3A_484 = arith.constant 8192 : i32
    %broadcast_in_dim3A_485 = vector.broadcast %jit3A_484 : i32 to vector<32x8192xi32>
    %select_n3A_486 = arith.select %eq3A_483, %iota3A, %broadcast_in_dim3A_485 : vector<32x8192xi1>, vector<32x8192xi32>
    %reduce_min3A_487 = arith.constant dense<2147483647> : vector<32xi32>
    %reduce_min3A_488 = vector.multi_reduction <minsi>, %select_n3A_486, %reduce_min3A_487 [1] : vector<32x8192xi32> to vector<32xi32>
    %broadcast_in_dim3A_489 = vector.shape_cast %reduce_min3A_488 : vector<32xi32> to vector<32x1xi32>
    %eq3A_490 = vector.broadcast %broadcast_in_dim3A_489 : vector<32x1xi32> to vector<32x8192xi32>
    %eq3A_491 = arith.cmpi eq, %iota3A, %eq3A_490 : vector<32x8192xi32>
    %jit3A_492 = arith.constant 0xFF800000 : f32
    %broadcast_in_dim3A_493 = vector.broadcast %jit3A_492 : f32 to vector<32x8192xf32>
    %select_n3A_494 = arith.select %eq3A_491, %broadcast_in_dim3A_493, %select_n3A_478 : vector<32x8192xi1>, vector<32x8192xf32>
    %reduce_max3A_495 = arith.constant dense<0xFF800000> : vector<32xf32>
    %reduce_max3A_496 = vector.multi_reduction <maximumf>, %select_n3A_494, %reduce_max3A_495 [1] : vector<32x8192xf32> to vector<32xf32>
    %broadcast_in_dim3A_497 = vector.shape_cast %reduce_max3A_496 : vector<32xf32> to vector<32x1xf32>
    %eq3A_498 = vector.broadcast %broadcast_in_dim3A_497 : vector<32x1xf32> to vector<32x8192xf32>
    %eq3A_499 = arith.cmpf oeq, %select_n3A_494, %eq3A_498 : vector<32x8192xf32>
    %jit3A_500 = arith.constant 8192 : i32
    %broadcast_in_dim3A_501 = vector.broadcast %jit3A_500 : i32 to vector<32x8192xi32>
    %select_n3A_502 = arith.select %eq3A_499, %iota3A, %broadcast_in_dim3A_501 : vector<32x8192xi1>, vector<32x8192xi32>
    %reduce_min3A_503 = arith.constant dense<2147483647> : vector<32xi32>
    %reduce_min3A_504 = vector.multi_reduction <minsi>, %select_n3A_502, %reduce_min3A_503 [1] : vector<32x8192xi32> to vector<32xi32>
    %broadcast_in_dim3A_505 = vector.shape_cast %reduce_min3A_504 : vector<32xi32> to vector<32x1xi32>
    %concatenate3A = tpu.concatenate %broadcast_in_dim3A_9, %broadcast_in_dim3A_25, %broadcast_in_dim3A_41, %broadcast_in_dim3A_57, %broadcast_in_dim3A_73, %broadcast_in_dim3A_89, %broadcast_in_dim3A_105, %broadcast_in_dim3A_121, %broadcast_in_dim3A_137, %broadcast_in_dim3A_153, %broadcast_in_dim3A_169, %broadcast_in_dim3A_185, %broadcast_in_dim3A_201, %broadcast_in_dim3A_217, %broadcast_in_dim3A_233, %broadcast_in_dim3A_249, %broadcast_in_dim3A_265, %broadcast_in_dim3A_281, %broadcast_in_dim3A_297, %broadcast_in_dim3A_313, %broadcast_in_dim3A_329, %broadcast_in_dim3A_345, %broadcast_in_dim3A_361, %broadcast_in_dim3A_377, %broadcast_in_dim3A_393, %broadcast_in_dim3A_409, %broadcast_in_dim3A_425, %broadcast_in_dim3A_441, %broadcast_in_dim3A_457, %broadcast_in_dim3A_473, %broadcast_in_dim3A_489, %broadcast_in_dim3A_505 in 1 : vector<32x1xi32>, vector<32x1xi32>, vector<32x1xi32>, vector<32x1xi32>, vector<32x1xi32>, vector<32x1xi32>, vector<32x1xi32>, vector<32x1xi32>, vector<32x1xi32>, vector<32x1xi32>, vector<32x1xi32>, vector<32x1xi32>, vector<32x1xi32>, vector<32x1xi32>, vector<32x1xi32>, vector<32x1xi32>, vector<32x1xi32>, vector<32x1xi32>, vector<32x1xi32>, vector<32x1xi32>, vector<32x1xi32>, vector<32x1xi32>, vector<32x1xi32>, vector<32x1xi32>, vector<32x1xi32>, vector<32x1xi32>, vector<32x1xi32>, vector<32x1xi32>, vector<32x1xi32>, vector<32x1xi32>, vector<32x1xi32>, vector<32x1xi32> -> vector<32x32xi32>
    %iota3A_506 = tpu.iota {dimensions = array<i32: 0>} : vector<32x32xi32>
    %mul3A = arith.constant 8192 : i32
    %mul3A_507 = vector.broadcast %mul3A : i32 to vector<32x32xi32>
    %mul3A_508 = arith.muli %iota3A_506, %mul3A_507 : vector<32x32xi32>
    %add3A_509 = arith.addi %concatenate3A, %mul3A_508 : vector<32x32xi32>
    %swap3A = arith.constant 0 : index
    %swap3A_510 = arith.constant 0 : index
    %swap3A_511 = vector.load %arg2[%swap3A, %swap3A_510] : memref<32x32xi32, #tpu.memory_space<vmem>>, vector<32x32xi32>
    tpu.vector_store %arg2[%swap3A, %swap3A_510], %add3A_509 {strides = array<i32>} : memref<32x32xi32, #tpu.memory_space<vmem>>, vector<32x32xi32>,
    return
  }
}

module attributes {stable_mosaic.version = 14 : i64} {
  func.func @_mlp_body(%arg0: i32, %arg1: memref<4x8192x128xf32, #tpu.memory_space<vmem>>, %arg2: memref<128x32xf32, #tpu.memory_space<vmem>>, %arg3: memref<1x32xf32, #tpu.memory_space<vmem>>, %arg4: memref<1x32xf32, #tpu.memory_space<vmem>>, %arg5: memref<4x1x8192xf32, #tpu.memory_space<vmem>>) attributes {dimension_semantics = [#tpu.dimension_semantics<arbitrary>], iteration_bounds = array<i64: 8>, scalar_prefetch = 0 : i64, scratch_operands = 0 : i64, tpu.core_type = #tpu.core_type<tc>, window_params = [{transform_indices = @transform_0, window_bounds = array<i64: 4, 8192, 128>}, {pipeline_mode = #tpu.pipeline_mode<synchronous>, transform_indices = @transform_1, window_bounds = array<i64: 128, 32>}, {pipeline_mode = #tpu.pipeline_mode<synchronous>, transform_indices = @transform_2, window_bounds = array<i64: 1, 32>}, {pipeline_mode = #tpu.pipeline_mode<synchronous>, transform_indices = @transform_3, window_bounds = array<i64: 1, 32>}, {transform_indices = @transform_4, window_bounds = array<i64: 4, 1, 8192>}]} {
    %get3A = arith.constant 0 : index
    %get3A_0 = arith.constant 0 : index
    %get3A_1 = arith.constant 0 : index
    %get3A_2 = vector.load %arg1[%get3A, %get3A_0, %get3A_1] : memref<4x8192x128xf32, #tpu.memory_space<vmem>>, vector<4x8192x128xf32>
    %reshape3A = vector.shape_cast %get3A_2 : vector<4x8192x128xf32> to vector<32768x128xf32>
    %convert_element_type3A = arith.truncf %reshape3A : vector<32768x128xf32> to vector<32768x128xbf16>
    %get3A_3 = arith.constant 0 : index
    %get3A_4 = arith.constant 0 : index
    %get3A_5 = vector.load %arg2[%get3A_3, %get3A_4] : memref<128x32xf32, #tpu.memory_space<vmem>>, vector<128x32xf32>
    %convert_element_type3A_6 = arith.truncf %get3A_5 : vector<128x32xf32> to vector<128x32xbf16>
    %dot_general3A = arith.constant dense<0.000000e+00> : vector<32768x32xf32>
    %dot_general3A_7 = tpu.matmul %convert_element_type3A, %convert_element_type3A_6, %dot_general3A {dimension_numbers = #tpu.dot_dimension_numbers<[1], [0], [0], [1], [0, 0, 1, 1], [], []>, transpose_lhs_hint = false} : vector<32768x128xbf16>, vector<128x32xbf16>, vector<32768x32xf32> -> vector<32768x32xf32>
    %get3A_8 = arith.constant 0 : index
    %get3A_9 = arith.constant 0 : index
    %get3A_10 = vector.load %arg3[%get3A_8, %get3A_9] : memref<1x32xf32, #tpu.memory_space<vmem>>, vector<1x32xf32>
    %add3A = vector.broadcast %get3A_10 : vector<1x32xf32> to vector<32768x32xf32>
    %add3A_11 = arith.addf %dot_general3A_7, %add3A : vector<32768x32xf32>
    %max3A = arith.constant 0.000000e+00 : f32
    %max3A_12 = vector.broadcast %max3A : f32 to vector<32768x32xf32>
    %max3A_13 = arith.maximumf %add3A_11, %max3A_12 : vector<32768x32xf32>
    %convert_element_type3A_14 = arith.truncf %max3A_13 : vector<32768x32xf32> to vector<32768x32xbf16>
    %get3A_15 = arith.constant 0 : index
    %get3A_16 = arith.constant 0 : index
    %get3A_17 = vector.load %arg4[%get3A_15, %get3A_16] : memref<1x32xf32, #tpu.memory_space<vmem>>, vector<1x32xf32>
    %convert_element_type3A_18 = arith.truncf %get3A_17 : vector<1x32xf32> to vector<1x32xbf16>
    %dot_general3A_19 = arith.constant dense<0.000000e+00> : vector<1x32768xf32>
    %dot_general3A_20 = tpu.matmul %convert_element_type3A_18, %convert_element_type3A_14, %dot_general3A_19 {dimension_numbers = #tpu.dot_dimension_numbers<[1], [1], [0], [0], [0, 0, 1, 0], [], []>, transpose_lhs_hint = false} : vector<1x32xbf16>, vector<32768x32xbf16>, vector<1x32768xf32> -> vector<1x32768xf32>
    %reshape3A_21 = vector.shape_cast %dot_general3A_20 : vector<1x32768xf32> to vector<4x1x8192xf32>
    %swap3A = arith.constant 0 : index
    %swap3A_22 = arith.constant 0 : index
    %swap3A_23 = arith.constant 0 : index
    %swap3A_24 = vector.load %arg5[%swap3A, %swap3A_22, %swap3A_23] : memref<4x1x8192xf32, #tpu.memory_space<vmem>>, vector<4x1x8192xf32>
    tpu.vector_store %arg5[%swap3A, %swap3A_22, %swap3A_23], %reshape3A_21 {strides = array<i32>} : memref<4x1x8192xf32, #tpu.memory_space<vmem>>, vector<4x1x8192xf32>,
    return
  }
  func.func @transform_0(%arg0: i32) -> (i32, i32, i32) {
    %c0_i32 = arith.constant 0 : i32
    %c0_i32_0 = arith.constant 0 : i32
    %c0_i32_1 = arith.constant 0 : i32
    return %arg0, %c0_i32, %c0_i32_0 : i32, i32, i32
  }
  func.func @transform_1(%arg0: i32) -> (i32, i32) {
    %c0_i32 = arith.constant 0 : i32
    %c0_i32_0 = arith.constant 0 : i32
    %c0_i32_1 = arith.constant 0 : i32
    return %c0_i32, %c0_i32_0 : i32, i32
  }
  func.func @transform_2(%arg0: i32) -> (i32, i32) {
    %c0_i32 = arith.constant 0 : i32
    %c0_i32_0 = arith.constant 0 : i32
    %c0_i32_1 = arith.constant 0 : i32
    return %c0_i32, %c0_i32_0 : i32, i32
  }
  func.func @transform_3(%arg0: i32) -> (i32, i32) {
    %c0_i32 = arith.constant 0 : i32
    %c0_i32_0 = arith.constant 0 : i32
    %c0_i32_1 = arith.constant 0 : i32
    return %c0_i32, %c0_i32_0 : i32, i32
  }
  func.func @transform_4(%arg0: i32) -> (i32, i32, i32) {
    %c0_i32 = arith.constant 0 : i32
    %c0_i32_0 = arith.constant 0 : i32
    %c0_i32_1 = arith.constant 0 : i32
    return %arg0, %c0_i32, %c0_i32_0 : i32, i32, i32
  }
}

</mosaic_0001>

<sc_bundles>
// kernel: kernel.5.cloned.1.call-start
scs
__scs_entry_jumppad:
0x0: {  	(pc) =	sbr.rel $0x88, $3  }
0x1: {  	(tag) =	ssettag $0x0;
	lr =	simm.s32 $0x1  }
0x2: {  	[smem:$0x3F9C] =	sst lr;
	_ =	strace $0xD0000000  }
0x3: {  	_ = 	snop  }
0x4: {  	_ = 	snop  }
0x5: {  	_ = 	snop  }
0x6: {  	_ = 	snop  }
0x7: {  	_ = 	snop  }
__scs_overlays_trampoline_lowered:
0x8: {  	[smem:$0x3FAB] =	sst s0  }
0x9: {  	[smem:$0x3FAC] =	sst s1  }
0xa: {  	[smem:$0x3FAD] =	sst s2  }
0xb: {  	[smem:$0x3FAE] =	sst s3  }
0xc: {  	[smem:$0x3FAF] =	sst s4  }
0xd: {  	[smem:$0x3FB0] =	sst s5  }
0xe: {  	[smem:$0x3FB1] =	sst s6  }
0xf: {  	[smem:$0x3FB2] =	sst s7  }
0x10: {  	[smem:$0x3FB3] =	sst s8  }
0x11: {  	[smem:$0x3FB4] =	sst s9;
	s0 =	simm.s32 @!p0 $0x0  }
0x12: {  	s1 =	sld [smem:$0x3F9A];
	s0 =	simm.s32 @p0 $0x1  }
0x13: {  	[smem:$0x3FB5] =	sst s0;
	s0 =	simm.s32 @!p1 $0x0  }
0x14: {  	s2 =	sld [smem:$0x3F99];
	s0 =	simm.s32 @p1 $0x1  }
0x15: {  	[smem:$0x3FB6] =	sst s0;
	s0 =	simm.s32 @!p2 $0x0  }
0x16: {  	s3 =	sld [smem:$0x3FDB];
	s0 =	simm.s32 @p2 $0x1  }
0x17: {  	s4 =	simm.s32 $0x1BF5;
	[smem:$0x3FB8] =	sst s0  }
0x18: {  	s0 =	sld [smem:$0x3F9B];
	_ =	swait.ge [sflag:s4], $0x0  }
0x19: {  	s7 =	sld [smem:$0x3F9C]  }
0x1a: {  	s8 =	sadd.s32 $0xFFFFE003, lr  }
0x1b: {  	s9 =	sadd.s32 $0xFFFFFEF7, lr;
	s5 =	simm.s32 $0xFFFFFFFF;
	p2 =	slt.u32 s8, $0xFFFFF086  }
0x1c: {  	p1 =	slt.u32 s9, $0xF7A;
	s5 =	simm.s32 @!p2 $0x0  }
0x1d: {  	s5 =	simm.s32 @p1 $0x1;
	p0 =	seq.s32 s7, s2  }
0x1e: {  	s7 =	smul.u32 @!p0 $0xF7A, s2;
	p2 =	seq.s32 @!p0 s5, $0x0  }
0x1f: {  	s9 =	smul.u32 $0xF7A, s1;
	s8 =	simm.s32 @!p0 $0x1BF5;
	p2 =	por !p2, p0  }
0x20: {  	[sflag:s8] =	ssyncset.s32 @!p0 $0xFFFFF086;
	s6 =	sadd.s32 @!p0 s3, s7;
	s7 =	simm.s32 @!p0 $0x108  }
0x21: {  	s3 =	sadd.s32 s3, s9;
	s6 =	sadd.s32 @!p0 $0x88, s6;
	s7 =	simm.s32 @p2 $0x1082  }
0x22: {  	[simem:s7], [sflag:s8] =	dma.local @!p0 [hbm:s6], $0xF7A  }
0x23: {  	s9 =	sor.u32 $0xD0000000, s2;
	s6 =	simm.s32 $0x108;
	_ =	swait.ge @!p0 [sflag:s8], $0x0  }
0x24: {  	s3 =	sadd.s32 $0x88, s3;
	s6 =	simm.s32 @!p1 $0x1082;
	[sflag:s4] =	ssyncset.s32 $0xFFFFF086  }
0x25: {  	[simem:s6], [sflag:s4] =	dma.local [hbm:s3], $0xF7A  }
0x26: {  	[smem:$0x3F9C] =	sst s1;
	(tag) =	ssettag s2;
	_ =	strace s9  }
0x27: {  	s1 =	sld [smem:$0x3FAC]  }
0x28: {  	s2 =	sld [smem:$0x3FAD]  }
0x29: {  	s4 =	sld [smem:$0x3FAF]  }
0x2a: {  	p0 =	seq.s32 s5, $0x0;
	s5 =	sld [smem:$0x3FB0]  }
0x2b: {  	s6 =	sld [smem:$0x3FB1]  }
0x2c: {  	s7 =	sld [smem:$0x3FB2]  }
0x2d: {  	s3 =	simm.s32 $0x108;
	s8 =	sld [smem:$0x3FB3]  }
0x2e: {  	s3 =	simm.s32 @!p0 $0x1082;
	s9 =	sld [smem:$0x3FB4]  }
0x2f: {  	lr =	sadd.s32 s0, s3;
	s0 =	sld [smem:$0x3FAB]  }
0x30: {  	s3 =	sld [smem:$0x3FAE]  }
0x31: {  	[smem:$0x3FB7] =	sst s10  }
0x32: {  	s10 =	sld [smem:$0x3FB5];
	_ =	sdelay $0x3  }
0x33: {  	p0 =	seq.s32 s10, $0x1;
	s10 =	sld [smem:$0x3FB7];
	_ =	sdelay $0x3  }
0x34: {  	[smem:$0x3FB7] =	sst s10  }
0x35: {  	s10 =	sld [smem:$0x3FB6];
	_ =	sdelay $0x3  }
0x36: {  	p1 =	seq.s32 s10, $0x1;
	s10 =	sld [smem:$0x3FB7];
	_ =	sdelay $0x3  }
0x37: {  	[smem:$0x3FB7] =	sst s10  }
0x38: {  	s10 =	sld [smem:$0x3FB8]  }
0x39: {  	_ = 	snop;
	(pc) =	sbr.ind lr, $3  }
0x3a: {  	_ = 	snop  }
0x3b: {  	_ = 	snop  }
0x3c: {  	p2 =	seq.s32 s10, $0x1;
	s10 =	sld [smem:$0x3FB7]  }
0x3d: {  	_ =	shalt  }
0x3e: {  	_ =	shalt  }
0x3f: {  	_ =	shalt  }
0x40: {  	_ =	shalt  }
0x41: {  	_ =	shalt  }
0x42: {  	_ =	shalt  }
0x43: {  	_ =	shalt  }
0x44: {  	_ =	shalt  }
0x45: {  	_ =	shalt  }
0x46: {  	_ =	shalt  }
0x47: {  	_ =	shalt  }
0x48: {  	_ =	shalt  }
0x49: {  	_ =	shalt  }
0x4a: {  	_ =	shalt  }
0x4b: {  	_ =	shalt  }
0x4c: {  	_ =	shalt  }
0x4d: {  	_ =	shalt  }
0x4e: {  	_ =	shalt  }
0x4f: {  	_ =	shalt  }
0x50: {  	_ =	shalt  }
0x51: {  	_ =	shalt  }
0x52: {  	_ =	shalt  }
0x53: {  	_ =	shalt  }
0x54: {  	_ =	shalt  }
0x55: {  	_ =	shalt  }
0x56: {  	_ =	shalt  }
0x57: {  	_ =	shalt  }
0x58: {  	_ =	shalt  }
0x59: {  	_ =	shalt  }
0x5a: {  	_ =	shalt  }
0x5b: {  	_ =	shalt  }
0x5c: {  	_ =	shalt  }
0x5d: {  	_ =	shalt  }
0x5e: {  	_ =	shalt  }
0x5f: {  	_ =	shalt  }
0x60: {  	_ =	shalt  }
0x61: {  	_ =	shalt  }
0x62: {  	_ =	shalt  }
0x63: {  	_ =	shalt  }
0x64: {  	_ =	shalt  }
0x65: {  	_ =	shalt  }
0x66: {  	_ =	shalt  }
0x67: {  	_ =	shalt  }
0x68: {  	_ =	shalt  }
0x69: {  	_ =	shalt  }
0x6a: {  	_ =	shalt  }
0x6b: {  	_ =	shalt  }
0x6c: {  	_ =	shalt  }
0x6d: {  	_ =	shalt  }
0x6e: {  	_ =	shalt  }
0x6f: {  	_ =	shalt  }
0x70: {  	_ =	shalt  }
0x71: {  	_ =	shalt  }
0x72: {  	_ =	shalt  }
0x73: {  	_ =	shalt  }
0x74: {  	_ =	shalt  }
0x75: {  	_ =	shalt  }
0x76: {  	_ =	shalt  }
0x77: {  	_ =	shalt  }
0x78: {  	_ =	shalt  }
0x79: {  	_ =	shalt  }
0x7a: {  	_ =	shalt  }
0x7b: {  	_ =	shalt  }
0x7c: {  	_ =	shalt  }
0x7d: {  	_ =	shalt  }
0x7e: {  	_ =	shalt  }
0x7f: {  	_ =	shalt  }
0x80: {  	_ =	shalt  }
0x81: {  	_ =	shalt  }
0x82: {  	_ =	shalt  }
0x83: {  	_ =	shalt  }
0x84: {  	_ =	shalt  }
0x85: {  	_ =	shalt  }
0x86: {  	_ =	shalt  }
0x87: {  	_ =	shalt  }
.Lfunc_end0:
.L_simem_size_0:
called_computation_lowered:
.L_overlay_start_0:
0x88: {  	s2 =	sld [smem:$0x3FD9]  }
0x89: {  	s3 =	sld [smem:$0x3FFE];
	_ =	sdelay $0x1  }
0x8a: {  	s1 =	srdreg.scid  }
0x8b: {  	s0 =	sand.u32 $0x1, s1  }
0x8c: {  	s17 =	sshll.u32 s0, $0xA;
	s2 =	sadd.s32 s3, s2  }
0x8d: {  	s2 =	sadd.s32 s2, s17  }
0x8e: {  	[smem:$0x3FC3] =	sst s2  }
0x8f: {  	_ = 	snop  }
0x90: {  	s2 =	sld [smem:$0x3FC9]  }
0x91: {  	s18 =	sld [smem:$0x3FD0];
	(tm) =	ssettm $0x1  }
0x92: {  	s4 =	sld [smem:$0x3FFB];
	_ =	sdelay $0x3  }
0x93: {  	_ =	strace s4  }
0x94: {  	s4 =	sld [smem:$0x3FFC];
	_ =	sdelay $0x3  }
0x95: {  	_ =	strace s4  }
0x96: {  	s4 =	sld [smem:$0x3FFD];
	_ =	sdelay $0x3  }
0x97: {  	_ =	strace s4  }
0x98: {  	_ =	strace $0x8FFFFFFF  }
0x99: {  	s19 =	sld [smem:$0x3FDB];
	_ =	sdelay $0x1  }
0x9a: {  	s5 =	simm.s32 $_scs_section_size  }
0x9b: {  	s6 =	simm.s32 $_size__tile_overlayer_lowered;
	s7 =	simm.s32 $_tile_overlayer_lowered  }
0x9c: {  	s22 =	simm.s32 $0x1BFF;
	s21 =	sshll.u32 s7, $0x1;
	s4 =	sadd.s32 s5, s19  }
0x9d: {  	s8 =	simm.s32 $0x0;
	s20 =	sshll.u32 s6, $0x1;
	s6 =	sadd.s32 s21, s4  }
0x9e: {  	[timem:s8], [sflag:s22] =	dma.local [hbm:s6], s20  }
0x9f: {  	_ =	swait.ge [sflag:s22], s20  }
0xa0: {  	s5 =	ssub.s32 $0x0, s20;
	[sflag:s22] =	ssyncset.done $0x0  }
0xa1: {  	[sflag:s22] =	ssyncadd.s32 s5;
	_ =	sdelay $0x1  }
0xa2: {  	s23 =	simm.s32 $0x1B8B  }
0xa3: {  	_ =	swait.ge [sflag:s23], $0x1  }
0xa4: {  	[sflag:s23] =	ssyncset.done $0x0  }
0xa5: {  	s25 =	simm.s32 $0x1B8E;
	s24 =	sld [smem:$0x3FFE];
	[sflag:s23] =	ssyncadd.s32 $0xFFFFFFFF  }
0xa6: {  	s26 =	simm.s32 $execute0_lowered;
	[smem:$0x3FD2] =	sst s25  }
0xa7: {  	s6 =	sshll.u32 s26, $0x1;
	_ =	strace $0x80000046;
	[dreg:$0x1] =	wrdreg $0xFFFFFFFF  }
0xa8: {  	s28 =	simm.s32 $_size_execute0_lowered;
	s4 =	sadd.s32 s4, s6;
	[dreg:$0x0] =	wrdreg $0x0  }
0xa9: {  	s6 =	sshll.u32 s28, $0x1;
	[dreg:$0x2] =	wrdreg s4  }
0xaa: {  	[dreg:$0x3] =	wrdreg s6  }
0xab: {  	[dreg:$0x4] =	wrdreg $0xC0  }
0xac: {  	_ =	task [dreg:s8], $0x5FFFF  }
0xad: {  	[dreg:$0x1] =	wrdreg $0xFFFFFFFF  }
0xae: {  	[dreg:$0x0] =	wrdreg $0x60  }
0xaf: {  	[dreg:$0x2] =	wrdreg s2  }
0xb0: {  	[dreg:$0x3] =	wrdreg s24  }
0xb1: {  	[dreg:$0x4] =	wrdreg s18  }
0xb2: {  	[dreg:$0x5] =	wrdreg $0x9  }
0xb3: {  	_ =	task.clear_ibuf [dreg:s8], $0x6FFFF;
	_ =	strace $0x90000046  }
0xb4: {  	s29 =	simm.s32 $0x9;
	_ =	strace $0x80000048  }
0xb5: {  	_ =	swait.ge [sflag:s29], $0x1  }
0xb6: {  	[sflag:s29] =	ssyncadd.s32 $0xFFFFFFFF  }
0xb7: {  	_ =	strace $0x90000048  }
0xb8: {  	_ =	sfence  }
0xb9: {  	s30 =	sld [smem:$0x0];
	_ =	sdelay $0x2  }
0xba: {  	s31 =	sshll.u32 s1, $0xD;
	s1 =	sshrl.u32 s1, $0x2  }
0xbb: {  	s3 =	sand.u32 $0x4000, s31;
	s1 =	sadd.s32 s1, s30  }
0xbc: {  	s0 =	sor.u32 s3, s0;
	s1 =	sshll.u32 s1, $0x11  }
0xbd: {  	s0 =	sor.u32 s1, s0  }
0xbe: {  	s0 =	sadd.s32 $0x8F2B, s0  }
0xbf: {  	[sflag:s0] =	ssyncadd.remote.s32 $0x1  }
0xc0: {  	_ =	sfence.sel $0xFFFF  }
0xc1: {  	[dreg:$0x0] =	wrdreg $0xFFFFFFFF;
	(pc) =	sbr.abs _section_cstart, $3  }
0xc2: {  	[dreg:$0x1] =	wrdreg $0xFFFFFFFF  }
0xc3: {  	_ =	task.clear_ibuf [dreg:s8], $0x2FFFF;
	_ =	strace $0x9FFFFFFF  }
0xc4: {  	(tm) =	ssettm $0x7FFFFFFF  }
0xc5: {  	_ =	shalt  }
tec
execute0_lowered:
.L_overlay_start_1:
0x0: {  	(tag) =	ssettag $0x1  }
0x1: {  	s2 =	srdreg.scid  }
0x2: {  	s1 =	rddreg [dreg:$0x0];
	s0 =	stileid.u32;
	s6 =	sand.u32 $0x1, s2  }
0x3: {  	s4 =	rddreg [dreg:$0x1];
	s30 =	sshll.u32 s0, $0x6;
	s3 =	sshll.u32 s6, $0x5  }
0x4: {  	s9 =	rddreg [dreg:$0x2];
	s10 =	sor.u32 s3, s30  }
0x5: {  	s2 =	rddreg [dreg:$0x3];
	s3 =	simm.s32 $0x0;
	s5 =	sshrl.u32 s10, $0x3  }
0x6: {  	s11 =	ssub.s32 $0x2, s6;
	[smem:$0x7FF] =	sst s3;
	s4 =	sadd.s32 s5, s4  }
0x7: {  	_ =	strace $0x80000047;
	s5 =	sadd.s32 $0xA00, s4;
	s4 =	simm.s32 $0x2  }
0x8: {  	[tilespmem:s3], [sflag:$0x2] =	stream.linear.gather [hbm4b:s5+s3], $0x20, $0x38;
	[tilespmem:$0x1080] =	vst v63  }
0x9: {  	s7 =	simm.s32 $0x80;
	s12 =	sshrl.u32 s11, $0x1;
	_ =	swait.ge [sflag:s4], $0x20  }
0xa: {  	s8 =	simm.s32 $0x1;
	s11 =	ssub.s32 s11, s12;
	[sflag:s4] =	ssyncset.done $0x0  }
0xb: {  	s6 =	simm.s32 $0x20;
	s31 =	smax.u32 s11, $0x1;
	[sflag:s4] =	ssyncadd.s32 $0xFFFFFFE0  }
0xc: {  	[tilespmem:s7], [sflag:$0x1] =	stream.indirect.gather [hbm4b:s1+s6], $0x80, s3, s6, $0xb8;
	[tilespmem:$0x1080] =	vst v63  }
0xd: {  	p0 =	sne.s32 s31, $0x1;
	_ =	swait.ge [sflag:s8], $0x1000  }
.Ltmp0:
0xe: {  	s10 =	sshll.u32 s10, $0x4;
	[sflag:s8] =	ssyncset.done $0x0;
	(pc) =	sbr.rel @!p0 .LBB2_2-.Ltmp0, $4  }
0xf: {  	s9 =	sadd.s32 s9, s10;
	[sflag:s8] =	ssyncadd.s32 $0xFFFFF000  }
0x10: {  	[hbm4b:s9+s3] =	stream.linear.scatter [tilespmem:s7], [sflag:$0x2], $0x1000, $0x38;
	[tilespmem:$0x1080] =	vst v63  }
0x11: {  	_ =	swait.ge [sflag:s4], $0x1000  }
0x12: {  	s10 =	sadd.s32 $0xFFFFFFFF, s31;
	[sflag:s4] =	ssyncset.done $0x0  }
.LBB2_1:
0x13: {  	p0 =	sne.s32 s10, $0x1;
	s10 =	sadd.s32 $0xFFFFFFFF, s10;
	[sflag:s4] =	ssyncadd.s32 $0xFFFFF000  }
0x14: {  	[tilespmem:s3], [sflag:$0x2] =	stream.linear.gather [hbm4b:s5+s3], $0x20, $0x38;
	[tilespmem:$0x1080] =	vst v63  }
0x15: {  	_ =	swait.ge [sflag:s4], $0x20  }
0x16: {  	[sflag:s4] =	ssyncset.done $0x0  }
0x17: {  	[sflag:s4] =	ssyncadd.s32 $0xFFFFFFE0  }
0x18: {  	[tilespmem:s7], [sflag:$0x1] =	stream.indirect.gather [hbm4b:s1+s6], $0x80, s3, s6, $0xb8;
	[tilespmem:$0x1080] =	vst v63  }
0x19: {  	_ =	swait.ge [sflag:s8], $0x1000  }
.Ltmp1:
0x1a: {  	[sflag:s8] =	ssyncset.done $0x0;
	(pc) =	sbr.rel @p0 .LBB2_1-.Ltmp1, $4  }
0x1b: {  	[sflag:s8] =	ssyncadd.s32 $0xFFFFF000  }
0x1c: {  	[hbm4b:s9+s3] =	stream.linear.scatter [tilespmem:s7], [sflag:$0x2], $0x1000, $0x38;
	[tilespmem:$0x1080] =	vst v63  }
0x1d: {  	_ =	swait.ge [sflag:s4], $0x1000  }
0x1e: {  	[sflag:s4] =	ssyncset.done $0x0  }
.LBB2_2:
0x1f: {  	[sflag:s4] =	ssyncadd.s32 $0xFFFFF000  }
0x20: {  	_ =	sfence.sel $0x180000  }
0x21: {  	[bflag:$0x0] =	sbarrier.arrive $0xFFFF  }
0x22: {  	p0 =	sne.s32 s0, $0x0;
	_ =	strace $0x90000047  }
0x23: {  	s0 =	sadd.s32 @!p0 $0x100000, s2;
	[bflag:$0x2] =	sbarrier.arrive $0xFFFF  }
0x24: {  	[sflag:s0] =	ssyncadd.tile.s32 @!p0 $0x1;
	_ =	shalt  }
.Lfunc_end2:
_tile_overlayer_lowered:
.L_overlay_start_2:
0x25: {  	(tag) =	ssettag $0x2  }
0x26: {  	s0 =	rddreg [dreg:$0x0];
	s2 =	stileid.u32  }
0x27: {  	s1 =	rddreg [dreg:$0x1];
	p0 =	sne.s32 s2, $0x0  }
0x28: {  	s3 =	rddreg [dreg:$0x2];
	[bflag:$0x3] =	sbarrier.arrive $0xFFFF;
	s2 =	simm.s32 @!p0 $0x1C02  }
0x29: {  	[timem:s3], [sflag:s2] =	dma.local @!p0 [hbm:s0], s1  }
0x2a: {  	s0 =	simm.s32 @!p0 $0x2  }
0x2b: {  	_ =	swait.ge @!p0 [sflag:s0], s1  }
0x2c: {  	s1 =	ssub.s32 @!p0 $0x0, s1;
	[sflag:s0] =	ssyncset.done @!p0 $0x0  }
0x2d: {  	[sflag:s0] =	ssyncadd.s32 @!p0 s1  }
0x2e: {  	[bflag:$0x3] =	sbarrier.arrive $0xFFFF  }
0x2f: {  	_ =	shalt  }

</sc_bundles>
